<compile_context>
chip_gen: v7x
topology: tpu7x:2x2x1
jax: 0.10.2.dev20260603
libtpu: 0.0.44.dev20260713+nightly
codegen_flags: <defaults>
</compile_context>

<pallas_src>
import functools

import jax
import jax.numpy as jnp
from jax import lax
from jax.experimental import pallas as pl
from jax.experimental.pallas import tpu as pltpu
from jax.experimental.pallas import tpu_sc as plsc

_BATCH = 16384
_NF = 512
_NN = 512
_NT = 1
_NNZ1 = 32768
_NNZ2 = 512

_L = 16


def _densify(conn1_in, conn1_out, w1, conn2_in, conn2_out, w2):
    info = plsc.get_sparse_core_info()
    nc, ns = info.num_cores, info.num_subcores
    half = _NNZ1 // nc
    rows1 = _NF // ns
    rows2 = _NN // ns
    mesh = plsc.VectorSubcoreMesh(core_axis_name="c", subcore_axis_name="s")

    @functools.partial(
        pl.kernel,
        out_type=(
            jax.ShapeDtypeStruct((_NF, _NN), jnp.float32),
            jax.ShapeDtypeStruct((_NF, _NN), jnp.float32),
            jax.ShapeDtypeStruct((_NN * _NT,), jnp.float32),
        ),
        mesh=mesh,
        scratch_types=dict(
            ci_v=pltpu.VMEM((half,), jnp.int32),
            co_v=pltpu.VMEM((half,), jnp.int32),
            w_v=pltpu.VMEM((half,), jnp.float32),
            ci2_v=pltpu.VMEM((_NNZ2,), jnp.int32),
            co2_v=pltpu.VMEM((_NNZ2,), jnp.int32),
            w2_v=pltpu.VMEM((_NNZ2,), jnp.float32),
            tbl1_v=pltpu.VMEM((rows1, _NN), jnp.float32),
            tbl2_v=pltpu.VMEM((rows2 * _NT,), jnp.float32),
            sem=pltpu.SemaphoreType.DMA,
        ),
        compiler_params=pltpu.CompilerParams(needs_layout_passes=False),
    )
    def k(ci1_hbm, co1_hbm, w1_hbm, ci2_hbm, co2_hbm, w2_hbm,
          w1a_hbm, w1b_hbm, w2d_hbm,
          ci_v, co_v, w_v, ci2_v, co2_v, w2_v, tbl1_v, tbl2_v, sem):
        cid = lax.axis_index("c")
        sid = lax.axis_index("s")
        ebase = cid * half

        cps = [
            pltpu.async_copy(ci1_hbm.at[pl.ds(ebase, half)], ci_v, sem),
            pltpu.async_copy(co1_hbm.at[pl.ds(ebase, half)], co_v, sem),
            pltpu.async_copy(w1_hbm.at[pl.ds(ebase, half)], w_v, sem),
            pltpu.async_copy(ci2_hbm, ci2_v, sem),
            pltpu.async_copy(co2_hbm, co2_v, sem),
            pltpu.async_copy(w2_hbm, w2_v, sem),
        ]

        zero = jnp.zeros((_L,), jnp.float32)
        nchunk = _NN // _L

        @plsc.parallel_loop(0, rows1 * nchunk, unroll=8)
        def _(i):
            tbl1_v[i // nchunk, pl.ds((i % nchunk) * _L, _L)] = zero

        @plsc.parallel_loop(0, rows2 * _NT // _L, unroll=2)
        def _(i):
            tbl2_v[pl.ds(i * _L, _L)] = zero

        for cp in cps:
            cp.wait()

        base1 = sid * rows1

        @plsc.parallel_loop(0, half // _L, unroll=8)
        def _(i):
            ci = ci_v[pl.ds(i * _L, _L)]
            co = co_v[pl.ds(i * _L, _L)]
            wv = w_v[pl.ds(i * _L, _L)]
            r = ci - base1
            m = (r >= 0) & (r < rows1)
            rr = jnp.where(m, r, 0)
            val = jnp.where(m, wv, 0.0)
            plsc.addupdate_scatter(tbl1_v, [rr, co], val, mask=m)

        base2 = sid * rows2

        @pl.when(cid == 0)
        def _():
            @plsc.parallel_loop(0, _NNZ2 // _L, unroll=4)
            def _(i):
                ci = ci2_v[pl.ds(i * _L, _L)]
                co = co2_v[pl.ds(i * _L, _L)]
                wv = w2_v[pl.ds(i * _L, _L)]
                r = ci - base2
                m = (r >= 0) & (r < rows2)
                loc = jnp.where(m, r * _NT + co, 0)
                val = jnp.where(m, wv, 0.0)
                plsc.addupdate_scatter(tbl2_v, [loc], val, mask=m)

        @pl.when(cid == 0)
        def _():
            pltpu.sync_copy(tbl1_v, w1a_hbm.at[pl.ds(base1, rows1), :])
            pltpu.sync_copy(tbl2_v, w2d_hbm.at[pl.ds(base2 * _NT, rows2 * _NT)])

        @pl.when(cid == 1)
        def _():
            pltpu.sync_copy(tbl1_v, w1b_hbm.at[pl.ds(base1, rows1), :])

    return k(conn1_in, conn1_out, w1, conn2_in, conn2_out, w2)


_BLK = 2048


def _sigmoid(z):
    return 0.5 * jnp.tanh(0.5 * z) + 0.5


def _mlp_body(x_ref, w1a_ref, w1b_ref, b1_ref, w2_ref, b2_ref, o_ref):
    xb = x_ref[...].astype(jnp.bfloat16)
    w1b16 = (w1a_ref[...] + w1b_ref[...]).astype(jnp.bfloat16)
    h = jnp.dot(xb, w1b16, preferred_element_type=jnp.float32)
    h = _sigmoid(h + b1_ref[...])
    w2row = w2_ref[...].reshape(1, _NN).astype(jnp.bfloat16)
    y = lax.dot_general(w2row, h.astype(jnp.bfloat16),
                        (((1,), (1,)), ((), ())),
                        preferred_element_type=jnp.float32)
    o_ref[...] = _sigmoid(y + b2_ref[0])


def _mlp(x, w1a, w1b, b1, w2d, b2):
    grid = (_BATCH // _BLK,)
    return pl.pallas_call(
        _mlp_body,
        grid=grid,
        in_specs=[
            pl.BlockSpec((_BLK, _NF), lambda i: (i, 0)),
            pl.BlockSpec((_NF, _NN), lambda i: (0, 0)),
            pl.BlockSpec((_NF, _NN), lambda i: (0, 0)),
            pl.BlockSpec((_NN,), lambda i: (0,)),
            pl.BlockSpec((_NN * _NT,), lambda i: (0,)),
            pl.BlockSpec((_NT,), lambda i: (0,)),
        ],
        out_specs=pl.BlockSpec((1, _BLK), lambda i: (0, i)),
        out_shape=jax.ShapeDtypeStruct((1, _BATCH), jnp.float32),
    )(x, w1a, w1b, b1, w2d, b2)


def kernel(x, w1, b1, w2, b2, conn1_out, conn1_in, conn2_out, conn2_in):
    w1a, w1b, w2d = _densify(conn1_in, conn1_out, w1,
                             conn2_in, conn2_out, w2)
    return _mlp(x, w1a, w1b, b1, w2d, b2).reshape(_BATCH, _NT)

# --- scband reference (transcript-rebuilt; emitter-appended) ---
"""Pipeline reference for scband-edge-weighted-qbaf-38869454029395 (READ-ONLY COPY).

The authoritative reference and input builder live on the scoring server;
editing this copy changes nothing except your own understanding.
"""

import jax, jax.numpy as jnp
import numpy as np

BATCH = 16384
NUM_FEATURES = 512
NUM_NEURONS = 512
NUM_TARGETS = 1
NNZ1 = 32768  # ~12.5% density in layer 1 (512*512 possible)
NNZ2 = 512    # fully connected neurons -> single target


def setup_inputs(seed: int = 0) -> dict:
    key = jax.random.key(seed)
    k1, k2, k3, k4, k5 = jax.random.split(key, 5)
    x = jax.random.normal(k1, (BATCH, NUM_FEATURES), dtype=jnp.float32)
    # connectivity for sparse layer 1: row 0 = output (neuron) index, row 1 = input (feature) index
    conn1_out = jax.random.randint(k2, (NNZ1,), 0, NUM_NEURONS, dtype=jnp.int32)
    conn1_in = jax.random.randint(k3, (NNZ1,), 0, NUM_FEATURES, dtype=jnp.int32)
    # connectivity for sparse layer 2: every neuron connects to the single target
    conn2_out = jnp.zeros((NNZ2,), dtype=jnp.int32)
    conn2_in = jnp.arange(NNZ2, dtype=jnp.int32)
    # learned parameters: one weight per existing connection + dense bias per output unit
    w1 = jax.random.normal(k4, (NNZ1,), dtype=jnp.float32) * (1.0 / np.sqrt(NUM_FEATURES))
    b1 = jnp.zeros((NUM_NEURONS,), dtype=jnp.float32)
    w2 = jax.random.normal(k5, (NNZ2,), dtype=jnp.float32) * (1.0 / np.sqrt(NUM_NEURONS))
    b2 = jnp.zeros((NUM_TARGETS,), dtype=jnp.float32)
    return {
        "x": x,
        "w1": w1, "b1": b1, "w2": w2, "b2": b2,
        "conn1_out": conn1_out, "conn1_in": conn1_in,
        "conn2_out": conn2_out, "conn2_in": conn2_in,
    }


def _sparse_linear(x, w, b, conn_out, conn_in, out_dim):
    # SparseLinear: y[b, o] = sum_{k: conn_out[k]==o} w[k] * x[b, conn_in[k]] + bias[o]
    gathered = jnp.take(x, conn_in, axis=1)  # [B, nnz]
    contrib = gathered * w[None, :]
    y = jnp.zeros((x.shape[0], out_dim), dtype=x.dtype).at[:, conn_out].add(contrib)
    return y + b[None, :]


def reference(x, w1, b1, w2, b2, conn1_out, conn1_in, conn2_out, conn2_in):
    h = _sparse_linear(x, w1, b1, conn1_out, conn1_in, NUM_NEURONS)
    h = jax.nn.sigmoid(h)
    y = _sparse_linear(h, w2, b2, conn2_out, conn2_in, NUM_TARGETS)
    # num_targets == 1 -> final sigmoid (binary classification)
    y = jax.nn.sigmoid(y)
    return y

if __name__ == "__main__":
    import jax
    _d = setup_inputs()
    print(jax.jit(kernel)(*tuple(_d.values())))

</pallas_src>

<mosaic_0001>
#map = affine_map<(d0, d1) -> (0)>
#map1 = affine_map<(d0, d1) -> (0, 0)>
module attributes {stable_mosaic.version = 14 : i64} {
  func.func @k(%arg0: i32, %arg1: i32, %arg2: memref<32768xi32, #tpu.memory_space<hbm>>, %arg3: memref<32768xi32, #tpu.memory_space<hbm>>, %arg4: memref<32768xf32, #tpu.memory_space<hbm>>, %arg5: memref<512xi32, #tpu.memory_space<hbm>>, %arg6: memref<512xi32, #tpu.memory_space<hbm>>, %arg7: memref<512xf32, #tpu.memory_space<hbm>>, %arg8: memref<512x512xf32, #tpu.memory_space<hbm>>, %arg9: memref<512x512xf32, #tpu.memory_space<hbm>>, %arg10: memref<512xf32, #tpu.memory_space<hbm>>, %arg11: memref<512xi32, #tpu.memory_space<vmem>>, %arg12: memref<16384xi32, #tpu.memory_space<vmem>>, %arg13: memref<512xi32, #tpu.memory_space<vmem>>, %arg14: memref<16384xi32, #tpu.memory_space<vmem>>, %arg15: memref<!tpu.dma_semaphore, #tpu.memory_space<semaphore_mem>>, %arg16: memref<32x512xf32, #tpu.memory_space<vmem>>, %arg17: memref<32xf32, #tpu.memory_space<vmem>>, %arg18: memref<512xf32, #tpu.memory_space<vmem>>, %arg19: memref<16384xf32, #tpu.memory_space<vmem>>) attributes {dimension_semantics = [#tpu.dimension_semantics<core_parallel>, #tpu.dimension_semantics<subcore_parallel>], iteration_bounds = array<i64: 2, 16>, scalar_prefetch = 0 : i64, scratch_operands = 9 : i64, tpu.core_type = #tpu.core_type<sc_vector_subcore>, window_params = [{transform_indices = #map}, {transform_indices = #map}, {transform_indices = #map}, {transform_indices = #map}, {transform_indices = #map}, {transform_indices = #map}, {transform_indices = #map1}, {transform_indices = #map1}, {transform_indices = #map}]} {
    %mul3A = arith.constant 16384 : i32
    %mul3A_0 = arith.muli %arg0, %mul3A : i32
    %dma_start3A = tpu.memref_slice %arg2[%mul3A_0] : memref<32768xi32, #tpu.memory_space<hbm>> -> memref<16384xi32, #tpu.memory_space<hbm>>
    %dma_start3A_1 = tpu.memref_slice %arg2[%mul3A_0] : memref<32768xi32, #tpu.memory_space<hbm>> -> memref<16384xi32, #tpu.memory_space<hbm>>
    tpu.enqueue_dma source(%dma_start3A_1 : memref<16384xi32, #tpu.memory_space<hbm>>) target(%arg12 : memref<16384xi32, #tpu.memory_space<vmem>>) target_semaphore(%arg15 : memref<!tpu.dma_semaphore, #tpu.memory_space<semaphore_mem>>)
    %dma_start3A_2 = tpu.memref_slice %arg3[%mul3A_0] : memref<32768xi32, #tpu.memory_space<hbm>> -> memref<16384xi32, #tpu.memory_space<hbm>>
    %dma_start3A_3 = tpu.memref_slice %arg3[%mul3A_0] : memref<32768xi32, #tpu.memory_space<hbm>> -> memref<16384xi32, #tpu.memory_space<hbm>>
    tpu.enqueue_dma source(%dma_start3A_3 : memref<16384xi32, #tpu.memory_space<hbm>>) target(%arg14 : memref<16384xi32, #tpu.memory_space<vmem>>) target_semaphore(%arg15 : memref<!tpu.dma_semaphore, #tpu.memory_space<semaphore_mem>>)
    %dma_start3A_4 = tpu.memref_slice %arg4[%mul3A_0] : memref<32768xf32, #tpu.memory_space<hbm>> -> memref<16384xf32, #tpu.memory_space<hbm>>
    %dma_start3A_5 = tpu.memref_slice %arg4[%mul3A_0] : memref<32768xf32, #tpu.memory_space<hbm>> -> memref<16384xf32, #tpu.memory_space<hbm>>
    tpu.enqueue_dma source(%dma_start3A_5 : memref<16384xf32, #tpu.memory_space<hbm>>) target(%arg19 : memref<16384xf32, #tpu.memory_space<vmem>>) target_semaphore(%arg15 : memref<!tpu.dma_semaphore, #tpu.memory_space<semaphore_mem>>)
    tpu.enqueue_dma source(%arg5 : memref<512xi32, #tpu.memory_space<hbm>>) target(%arg11 : memref<512xi32, #tpu.memory_space<vmem>>) target_semaphore(%arg15 : memref<!tpu.dma_semaphore, #tpu.memory_space<semaphore_mem>>)
    tpu.enqueue_dma source(%arg6 : memref<512xi32, #tpu.memory_space<hbm>>) target(%arg13 : memref<512xi32, #tpu.memory_space<vmem>>) target_semaphore(%arg15 : memref<!tpu.dma_semaphore, #tpu.memory_space<semaphore_mem>>)
    tpu.enqueue_dma source(%arg7 : memref<512xf32, #tpu.memory_space<hbm>>) target(%arg18 : memref<512xf32, #tpu.memory_space<vmem>>) target_semaphore(%arg15 : memref<!tpu.dma_semaphore, #tpu.memory_space<semaphore_mem>>)
    %broadcast_in_dim3A = arith.constant 0.000000e+00 : f32
    %broadcast_in_dim3A_6 = vector.broadcast %broadcast_in_dim3A : f32 to vector<16xf32>
    %parallel_loop3A = arith.constant 0 : i32
    %parallel_loop3A_7 = arith.constant 1024 : i32
    %parallel_loop3A_8 = arith.constant 1 : i32
    scf.for %parallel_loop3A_36 = %parallel_loop3A to %parallel_loop3A_7 step %parallel_loop3A_8  : i32 {
      %parallel_loop3A_37 = arith.constant 32 : i32
      %parallel_loop3A_38 = arith.divsi %parallel_loop3A_36, %parallel_loop3A_37 : i32
      %parallel_loop3A_39 = arith.constant 0 : i32
      %parallel_loop3A_40 = arith.cmpi sgt, %parallel_loop3A_36, %parallel_loop3A_39 : i32
      %parallel_loop3A_41 = arith.extui %parallel_loop3A_40 : i1 to i32
      %parallel_loop3A_42 = arith.constant 0 : i32
      %parallel_loop3A_43 = arith.cmpi slt, %parallel_loop3A_36, %parallel_loop3A_42 : i32
      %parallel_loop3A_44 = arith.extui %parallel_loop3A_43 : i1 to i32
      %parallel_loop3A_45 = arith.subi %parallel_loop3A_41, %parallel_loop3A_44 : i32
      %parallel_loop3A_46 = arith.constant 0 : i32
      %parallel_loop3A_47 = arith.cmpi sgt, %parallel_loop3A_37, %parallel_loop3A_46 : i32
      %parallel_loop3A_48 = arith.extui %parallel_loop3A_47 : i1 to i32
      %parallel_loop3A_49 = arith.constant 0 : i32
      %parallel_loop3A_50 = arith.cmpi slt, %parallel_loop3A_37, %parallel_loop3A_49 : i32
      %parallel_loop3A_51 = arith.extui %parallel_loop3A_50 : i1 to i32
      %parallel_loop3A_52 = arith.subi %parallel_loop3A_48, %parallel_loop3A_51 : i32
      %parallel_loop3A_53 = arith.cmpi ne, %parallel_loop3A_45, %parallel_loop3A_52 : i32
      %parallel_loop3A_54 = arith.remsi %parallel_loop3A_36, %parallel_loop3A_37 : i32
      %parallel_loop3A_55 = arith.constant 0 : i32
      %parallel_loop3A_56 = arith.cmpi ne, %parallel_loop3A_54, %parallel_loop3A_55 : i32
      %parallel_loop3A_57 = arith.andi %parallel_loop3A_53, %parallel_loop3A_56 : i1
      %parallel_loop3A_58 = arith.constant 1 : i32
      %parallel_loop3A_59 = arith.subi %parallel_loop3A_38, %parallel_loop3A_58 : i32
      %parallel_loop3A_60 = arith.select %parallel_loop3A_57, %parallel_loop3A_59, %parallel_loop3A_38 : i32
      %parallel_loop3A_61 = arith.constant 32 : i32
      %parallel_loop3A_62 = arith.constant 0 : i32
      %parallel_loop3A_63 = arith.cmpi eq, %parallel_loop3A_61, %parallel_loop3A_62 : i32
      %parallel_loop3A_64 = arith.constant 1 : i32
      %parallel_loop3A_65 = arith.select %parallel_loop3A_63, %parallel_loop3A_64, %parallel_loop3A_61 : i32
      %parallel_loop3A_66 = arith.remsi %parallel_loop3A_36, %parallel_loop3A_65 : i32
      %parallel_loop3A_67 = arith.constant 0 : i32
      %parallel_loop3A_68 = arith.cmpi ne, %parallel_loop3A_66, %parallel_loop3A_67 : i32
      %parallel_loop3A_69 = arith.constant 0 : i32
      %parallel_loop3A_70 = arith.cmpi slt, %parallel_loop3A_66, %parallel_loop3A_69 : i32
      %parallel_loop3A_71 = arith.constant 0 : i32
      %parallel_loop3A_72 = arith.cmpi slt, %parallel_loop3A_65, %parallel_loop3A_71 : i32
      %parallel_loop3A_73 = arith.xori %parallel_loop3A_70, %parallel_loop3A_72 : i1
      %parallel_loop3A_74 = arith.andi %parallel_loop3A_73, %parallel_loop3A_68 : i1
      %parallel_loop3A_75 = arith.addi %parallel_loop3A_66, %parallel_loop3A_65 : i32
      %parallel_loop3A_76 = arith.select %parallel_loop3A_74, %parallel_loop3A_75, %parallel_loop3A_66 : i32
      %parallel_loop3A_77 = arith.constant 16 : i32
      %parallel_loop3A_78 = arith.muli %parallel_loop3A_76, %parallel_loop3A_77 : i32
      %parallel_loop3A_79 = arith.index_cast %parallel_loop3A_60 : i32 to index
      %parallel_loop3A_80 = arith.index_cast %parallel_loop3A_78 : i32 to index
      %parallel_loop3A_81 = tpu.vector_load %arg16[%parallel_loop3A_79, %parallel_loop3A_80] {strides = array<i32>} : memref<32x512xf32, #tpu.memory_space<vmem>>, vector<16xf32>,
      tpu.vector_store %arg16[%parallel_loop3A_79, %parallel_loop3A_80], %broadcast_in_dim3A_6 {strides = array<i32>} : memref<32x512xf32, #tpu.memory_space<vmem>>, vector<16xf32>,
    } {sc.loop_unroll_factor = 8 : i64, sc.parallel_access}
    %parallel_loop3A_9 = arith.constant 0 : i32
    %parallel_loop3A_10 = arith.constant 2 : i32
    %parallel_loop3A_11 = arith.constant 1 : i32
    scf.for %parallel_loop3A_36 = %parallel_loop3A_9 to %parallel_loop3A_10 step %parallel_loop3A_11  : i32 {
      %parallel_loop3A_37 = arith.constant 16 : i32
      %parallel_loop3A_38 = arith.muli %parallel_loop3A_36, %parallel_loop3A_37 : i32
      %parallel_loop3A_39 = arith.index_cast %parallel_loop3A_38 : i32 to index
      %parallel_loop3A_40 = tpu.vector_load %arg17[%parallel_loop3A_39] {strides = array<i32>} : memref<32xf32, #tpu.memory_space<vmem>>, vector<16xf32>,
      tpu.vector_store %arg17[%parallel_loop3A_39], %broadcast_in_dim3A_6 {strides = array<i32>} : memref<32xf32, #tpu.memory_space<vmem>>, vector<16xf32>,
    } {sc.loop_unroll_factor = 2 : i64, sc.parallel_access}
    %dma_wait3A = tpu.memref_slice %arg2[%mul3A_0] : memref<32768xi32, #tpu.memory_space<hbm>> -> memref<16384xi32, #tpu.memory_space<hbm>>
    %dma_wait3A_12 = tpu.memref_slice %arg2[%mul3A_0] : memref<32768xi32, #tpu.memory_space<hbm>> -> memref<16384xi32, #tpu.memory_space<hbm>>
    tpu.wait_dma2 semaphore(%arg15 : memref<!tpu.dma_semaphore, #tpu.memory_space<semaphore_mem>>) src(%dma_wait3A_12 : memref<16384xi32, #tpu.memory_space<hbm>>) dst(%arg12 : memref<16384xi32, #tpu.memory_space<vmem>>)
    %dma_wait3A_13 = tpu.memref_slice %arg3[%mul3A_0] : memref<32768xi32, #tpu.memory_space<hbm>> -> memref<16384xi32, #tpu.memory_space<hbm>>
    %dma_wait3A_14 = tpu.memref_slice %arg3[%mul3A_0] : memref<32768xi32, #tpu.memory_space<hbm>> -> memref<16384xi32, #tpu.memory_space<hbm>>
    tpu.wait_dma2 semaphore(%arg15 : memref<!tpu.dma_semaphore, #tpu.memory_space<semaphore_mem>>) src(%dma_wait3A_14 : memref<16384xi32, #tpu.memory_space<hbm>>) dst(%arg14 : memref<16384xi32, #tpu.memory_space<vmem>>)
    %dma_wait3A_15 = tpu.memref_slice %arg4[%mul3A_0] : memref<32768xf32, #tpu.memory_space<hbm>> -> memref<16384xf32, #tpu.memory_space<hbm>>
    %dma_wait3A_16 = tpu.memref_slice %arg4[%mul3A_0] : memref<32768xf32, #tpu.memory_space<hbm>> -> memref<16384xf32, #tpu.memory_space<hbm>>
    tpu.wait_dma2 semaphore(%arg15 : memref<!tpu.dma_semaphore, #tpu.memory_space<semaphore_mem>>) src(%dma_wait3A_16 : memref<16384xf32, #tpu.memory_space<hbm>>) dst(%arg19 : memref<16384xf32, #tpu.memory_space<vmem>>)
    tpu.wait_dma2 semaphore(%arg15 : memref<!tpu.dma_semaphore, #tpu.memory_space<semaphore_mem>>) src(%arg5 : memref<512xi32, #tpu.memory_space<hbm>>) dst(%arg11 : memref<512xi32, #tpu.memory_space<vmem>>)
    tpu.wait_dma2 semaphore(%arg15 : memref<!tpu.dma_semaphore, #tpu.memory_space<semaphore_mem>>) src(%arg6 : memref<512xi32, #tpu.memory_space<hbm>>) dst(%arg13 : memref<512xi32, #tpu.memory_space<vmem>>)
    tpu.wait_dma2 semaphore(%arg15 : memref<!tpu.dma_semaphore, #tpu.memory_space<semaphore_mem>>) src(%arg7 : memref<512xf32, #tpu.memory_space<hbm>>) dst(%arg18 : memref<512xf32, #tpu.memory_space<vmem>>)
    %mul3A_17 = arith.constant 32 : i32
    %mul3A_18 = arith.muli %arg1, %mul3A_17 : i32
    %parallel_loop3A_19 = arith.constant 0 : i32
    %parallel_loop3A_20 = arith.constant 1024 : i32
    %parallel_loop3A_21 = arith.constant 1 : i32
    scf.for %parallel_loop3A_36 = %parallel_loop3A_19 to %parallel_loop3A_20 step %parallel_loop3A_21  : i32 {
      %parallel_loop3A_37 = arith.constant 16 : i32
      %parallel_loop3A_38 = arith.muli %parallel_loop3A_36, %parallel_loop3A_37 : i32
      %parallel_loop3A_39 = arith.index_cast %parallel_loop3A_38 : i32 to index
      %parallel_loop3A_40 = tpu.vector_load %arg12[%parallel_loop3A_39] {strides = array<i32>} : memref<16384xi32, #tpu.memory_space<vmem>>, vector<16xi32>,
      %parallel_loop3A_41 = arith.constant 16 : i32
      %parallel_loop3A_42 = arith.muli %parallel_loop3A_36, %parallel_loop3A_41 : i32
      %parallel_loop3A_43 = arith.index_cast %parallel_loop3A_42 : i32 to index
      %parallel_loop3A_44 = tpu.vector_load %arg14[%parallel_loop3A_43] {strides = array<i32>} : memref<16384xi32, #tpu.memory_space<vmem>>, vector<16xi32>,
      %parallel_loop3A_45 = arith.constant 16 : i32
      %parallel_loop3A_46 = arith.muli %parallel_loop3A_36, %parallel_loop3A_45 : i32
      %parallel_loop3A_47 = arith.index_cast %parallel_loop3A_46 : i32 to index
      %parallel_loop3A_48 = tpu.vector_load %arg19[%parallel_loop3A_47] {strides = array<i32>} : memref<16384xf32, #tpu.memory_space<vmem>>, vector<16xf32>,
      %parallel_loop3A_49 = vector.broadcast %mul3A_18 : i32 to vector<16xi32>
      %parallel_loop3A_50 = arith.subi %parallel_loop3A_40, %parallel_loop3A_49 : vector<16xi32>
      %parallel_loop3A_51 = arith.constant 0 : i32
      %parallel_loop3A_52 = vector.broadcast %parallel_loop3A_51 : i32 to vector<16xi32>
      %parallel_loop3A_53 = arith.cmpi sge, %parallel_loop3A_50, %parallel_loop3A_52 : vector<16xi32>
      %parallel_loop3A_54 = arith.constant 32 : i32
      %parallel_loop3A_55 = vector.broadcast %parallel_loop3A_54 : i32 to vector<16xi32>
      %parallel_loop3A_56 = arith.cmpi slt, %parallel_loop3A_50, %parallel_loop3A_55 : vector<16xi32>
      %parallel_loop3A_57 = arith.andi %parallel_loop3A_53, %parallel_loop3A_56 : vector<16xi1>
      %parallel_loop3A_58 = arith.constant 0 : i32
      %parallel_loop3A_59 = vector.broadcast %parallel_loop3A_58 : i32 to vector<16xi32>
      %parallel_loop3A_60 = arith.select %parallel_loop3A_57, %parallel_loop3A_50, %parallel_loop3A_59 : vector<16xi1>, vector<16xi32>
      %parallel_loop3A_61 = arith.constant 0.000000e+00 : f32
      %parallel_loop3A_62 = vector.broadcast %parallel_loop3A_61 : f32 to vector<16xf32>
      %parallel_loop3A_63 = arith.select %parallel_loop3A_57, %parallel_loop3A_48, %parallel_loop3A_62 : vector<16xi1>, vector<16xf32>
      tpu.vector_store_idx %arg16[%parallel_loop3A_60, %parallel_loop3A_44], %parallel_loop3A_63 masked %parallel_loop3A_57 {add = true} : memref<32x512xf32, #tpu.memory_space<vmem>>[vector<16xi32>, vector<16xi32>], vector<16xf32>, vector<16xi1>
    } {sc.loop_unroll_factor = 8 : i64, sc.parallel_access}
    %mul3A_22 = arith.constant 32 : i32
    %mul3A_23 = arith.muli %arg1, %mul3A_22 : i32
    %eq3A = arith.constant 0 : i32
    %eq3A_24 = arith.cmpi eq, %arg0, %eq3A : i32
    %convert_element_type3A = arith.extui %eq3A_24 : i1 to i32
    %cond3A = arith.constant 0 : i32
    %cond3A_25 = arith.cmpi ne, %convert_element_type3A, %cond3A : i32
    scf.if %cond3A_25 {
      %parallel_loop3A_36 = arith.constant 0 : i32
      %parallel_loop3A_37 = arith.constant 32 : i32
      %parallel_loop3A_38 = arith.constant 1 : i32
      scf.for %parallel_loop3A_39 = %parallel_loop3A_36 to %parallel_loop3A_37 step %parallel_loop3A_38  : i32 {
        %parallel_loop3A_40 = arith.constant 16 : i32
        %parallel_loop3A_41 = arith.muli %parallel_loop3A_39, %parallel_loop3A_40 : i32
        %parallel_loop3A_42 = arith.index_cast %parallel_loop3A_41 : i32 to index
        %parallel_loop3A_43 = tpu.vector_load %arg11[%parallel_loop3A_42] {strides = array<i32>} : memref<512xi32, #tpu.memory_space<vmem>>, vector<16xi32>,
        %parallel_loop3A_44 = arith.constant 16 : i32
        %parallel_loop3A_45 = arith.muli %parallel_loop3A_39, %parallel_loop3A_44 : i32
        %parallel_loop3A_46 = arith.index_cast %parallel_loop3A_45 : i32 to index
        %parallel_loop3A_47 = tpu.vector_load %arg13[%parallel_loop3A_46] {strides = array<i32>} : memref<512xi32, #tpu.memory_space<vmem>>, vector<16xi32>,
        %parallel_loop3A_48 = arith.constant 16 : i32
        %parallel_loop3A_49 = arith.muli %parallel_loop3A_39, %parallel_loop3A_48 : i32
        %parallel_loop3A_50 = arith.index_cast %parallel_loop3A_49 : i32 to index
        %parallel_loop3A_51 = tpu.vector_load %arg18[%parallel_loop3A_50] {strides = array<i32>} : memref<512xf32, #tpu.memory_space<vmem>>, vector<16xf32>,
        %parallel_loop3A_52 = vector.broadcast %mul3A_23 : i32 to vector<16xi32>
        %parallel_loop3A_53 = arith.subi %parallel_loop3A_43, %parallel_loop3A_52 : vector<16xi32>
        %parallel_loop3A_54 = arith.constant 0 : i32
        %parallel_loop3A_55 = vector.broadcast %parallel_loop3A_54 : i32 to vector<16xi32>
        %parallel_loop3A_56 = arith.cmpi sge, %parallel_loop3A_53, %parallel_loop3A_55 : vector<16xi32>
        %parallel_loop3A_57 = arith.constant 32 : i32
        %parallel_loop3A_58 = vector.broadcast %parallel_loop3A_57 : i32 to vector<16xi32>
        %parallel_loop3A_59 = arith.cmpi slt, %parallel_loop3A_53, %parallel_loop3A_58 : vector<16xi32>
        %parallel_loop3A_60 = arith.andi %parallel_loop3A_56, %parallel_loop3A_59 : vector<16xi1>
        %parallel_loop3A_61 = arith.constant 1 : i32
        %parallel_loop3A_62 = vector.broadcast %parallel_loop3A_61 : i32 to vector<16xi32>
        %parallel_loop3A_63 = arith.muli %parallel_loop3A_53, %parallel_loop3A_62 : vector<16xi32>
        %parallel_loop3A_64 = arith.addi %parallel_loop3A_63, %parallel_loop3A_47 : vector<16xi32>
        %parallel_loop3A_65 = arith.constant 0 : i32
        %parallel_loop3A_66 = vector.broadcast %parallel_loop3A_65 : i32 to vector<16xi32>
        %parallel_loop3A_67 = arith.select %parallel_loop3A_60, %parallel_loop3A_64, %parallel_loop3A_66 : vector<16xi1>, vector<16xi32>
        %parallel_loop3A_68 = arith.constant 0.000000e+00 : f32
        %parallel_loop3A_69 = vector.broadcast %parallel_loop3A_68 : f32 to vector<16xf32>
        %parallel_loop3A_70 = arith.select %parallel_loop3A_60, %parallel_loop3A_51, %parallel_loop3A_69 : vector<16xi1>, vector<16xf32>
        tpu.vector_store_idx %arg17[%parallel_loop3A_67], %parallel_loop3A_70 masked %parallel_loop3A_60 {add = true} : memref<32xf32, #tpu.memory_space<vmem>>[vector<16xi32>], vector<16xf32>, vector<16xi1>
      } {sc.loop_unroll_factor = 4 : i64, sc.parallel_access}
    } else {
    }
    %eq3A_26 = arith.constant 0 : i32
    %eq3A_27 = arith.cmpi eq, %arg0, %eq3A_26 : i32
    %convert_element_type3A_28 = arith.extui %eq3A_27 : i1 to i32
    %cond3A_29 = arith.constant 0 : i32
    %cond3A_30 = arith.cmpi ne, %convert_element_type3A_28, %cond3A_29 : i32
    scf.if %cond3A_30 {
      "tpu.region"() ({
        %run_scoped3A = tpu.sem_alloc : memref<!tpu.dma_semaphore, #tpu.memory_space<semaphore_mem>>
        %dma_start3A_38 = arith.constant 0 : i32
        %dma_start3A_39 = tpu.memref_slice %arg8[%mul3A_18, %dma_start3A_38] : memref<512x512xf32, #tpu.memory_space<hbm>> -> memref<32x512xf32, #tpu.memory_space<hbm>>
        %dma_start3A_40 = arith.constant 0 : i32
        %dma_start3A_41 = tpu.memref_slice %arg8[%mul3A_18, %dma_start3A_40] : memref<512x512xf32, #tpu.memory_space<hbm>> -> memref<32x512xf32, #tpu.memory_space<hbm>>
        tpu.enqueue_dma source(%arg16 : memref<32x512xf32, #tpu.memory_space<vmem>>) target(%dma_start3A_41 : memref<32x512xf32, #tpu.memory_space<hbm>>) target_semaphore(%run_scoped3A : memref<!tpu.dma_semaphore, #tpu.memory_space<semaphore_mem>>)
        %dma_wait3A_42 = arith.constant 0 : i32
        %dma_wait3A_43 = tpu.memref_slice %arg8[%mul3A_18, %dma_wait3A_42] : memref<512x512xf32, #tpu.memory_space<hbm>> -> memref<32x512xf32, #tpu.memory_space<hbm>>
        %dma_wait3A_44 = arith.constant 0 : i32
        %dma_wait3A_45 = tpu.memref_slice %arg8[%mul3A_18, %dma_wait3A_44] : memref<512x512xf32, #tpu.memory_space<hbm>> -> memref<32x512xf32, #tpu.memory_space<hbm>>
        tpu.wait_dma2 semaphore(%run_scoped3A : memref<!tpu.dma_semaphore, #tpu.memory_space<semaphore_mem>>) src(%arg16 : memref<32x512xf32, #tpu.memory_space<vmem>>) dst(%dma_wait3A_45 : memref<32x512xf32, #tpu.memory_space<hbm>>)
        tpu.yield
      }) : () -> ()
      %mul3A_36 = arith.constant 1 : i32
      %mul3A_37 = arith.muli %mul3A_23, %mul3A_36 : i32
      "tpu.region"() ({
        %run_scoped3A = tpu.sem_alloc : memref<!tpu.dma_semaphore, #tpu.memory_space<semaphore_mem>>
        %dma_start3A_38 = tpu.memref_slice %arg10[%mul3A_37] : memref<512xf32, #tpu.memory_space<hbm>> -> memref<32xf32, #tpu.memory_space<hbm>>
        %dma_start3A_39 = tpu.memref_slice %arg10[%mul3A_37] : memref<512xf32, #tpu.memory_space<hbm>> -> memref<32xf32, #tpu.memory_space<hbm>>
        tpu.enqueue_dma source(%arg17 : memref<32xf32, #tpu.memory_space<vmem>>) target(%dma_start3A_39 : memref<32xf32, #tpu.memory_space<hbm>>) target_semaphore(%run_scoped3A : memref<!tpu.dma_semaphore, #tpu.memory_space<semaphore_mem>>)
        %dma_wait3A_40 = tpu.memref_slice %arg10[%mul3A_37] : memref<512xf32, #tpu.memory_space<hbm>> -> memref<32xf32, #tpu.memory_space<hbm>>
        %dma_wait3A_41 = tpu.memref_slice %arg10[%mul3A_37] : memref<512xf32, #tpu.memory_space<hbm>> -> memref<32xf32, #tpu.memory_space<hbm>>
        tpu.wait_dma2 semaphore(%run_scoped3A : memref<!tpu.dma_semaphore, #tpu.memory_space<semaphore_mem>>) src(%arg17 : memref<32xf32, #tpu.memory_space<vmem>>) dst(%dma_wait3A_41 : memref<32xf32, #tpu.memory_space<hbm>>)
        tpu.yield
      }) : () -> ()
    } else {
    }
    %eq3A_31 = arith.constant 1 : i32
    %eq3A_32 = arith.cmpi eq, %arg0, %eq3A_31 : i32
    %convert_element_type3A_33 = arith.extui %eq3A_32 : i1 to i32
    %cond3A_34 = arith.constant 0 : i32
    %cond3A_35 = arith.cmpi ne, %convert_element_type3A_33, %cond3A_34 : i32
    scf.if %cond3A_35 {
      "tpu.region"() ({
        %run_scoped3A = tpu.sem_alloc : memref<!tpu.dma_semaphore, #tpu.memory_space<semaphore_mem>>
        %dma_start3A_36 = arith.constant 0 : i32
        %dma_start3A_37 = tpu.memref_slice %arg9[%mul3A_18, %dma_start3A_36] : memref<512x512xf32, #tpu.memory_space<hbm>> -> memref<32x512xf32, #tpu.memory_space<hbm>>
        %dma_start3A_38 = arith.constant 0 : i32
        %dma_start3A_39 = tpu.memref_slice %arg9[%mul3A_18, %dma_start3A_38] : memref<512x512xf32, #tpu.memory_space<hbm>> -> memref<32x512xf32, #tpu.memory_space<hbm>>
        tpu.enqueue_dma source(%arg16 : memref<32x512xf32, #tpu.memory_space<vmem>>) target(%dma_start3A_39 : memref<32x512xf32, #tpu.memory_space<hbm>>) target_semaphore(%run_scoped3A : memref<!tpu.dma_semaphore, #tpu.memory_space<semaphore_mem>>)
        %dma_wait3A_40 = arith.constant 0 : i32
        %dma_wait3A_41 = tpu.memref_slice %arg9[%mul3A_18, %dma_wait3A_40] : memref<512x512xf32, #tpu.memory_space<hbm>> -> memref<32x512xf32, #tpu.memory_space<hbm>>
        %dma_wait3A_42 = arith.constant 0 : i32
        %dma_wait3A_43 = tpu.memref_slice %arg9[%mul3A_18, %dma_wait3A_42] : memref<512x512xf32, #tpu.memory_space<hbm>> -> memref<32x512xf32, #tpu.memory_space<hbm>>
        tpu.wait_dma2 semaphore(%run_scoped3A : memref<!tpu.dma_semaphore, #tpu.memory_space<semaphore_mem>>) src(%arg16 : memref<32x512xf32, #tpu.memory_space<vmem>>) dst(%dma_wait3A_43 : memref<32x512xf32, #tpu.memory_space<hbm>>)
        tpu.yield
      }) : () -> ()
    } else {
    }
    return
  }
}

module attributes {stable_mosaic.version = 14 : i64} {
  func.func @_mlp_body(%arg0: i32, %arg1: memref<2048x512xf32, #tpu.memory_space<vmem>>, %arg2: memref<512x512xf32, #tpu.memory_space<vmem>>, %arg3: memref<512x512xf32, #tpu.memory_space<vmem>>, %arg4: memref<512xf32, #tpu.memory_space<vmem>>, %arg5: memref<512xf32, #tpu.memory_space<vmem>>, %arg6: memref<1xf32, #tpu.memory_space<vmem>>, %arg7: memref<1x2048xf32, #tpu.memory_space<vmem>>) attributes {dimension_semantics = [#tpu.dimension_semantics<arbitrary>], iteration_bounds = array<i64: 8>, scalar_prefetch = 0 : i64, scratch_operands = 0 : i64, tpu.core_type = #tpu.core_type<tc>, window_params = [{transform_indices = @transform_0, window_bounds = array<i64: 2048, 512>}, {pipeline_mode = #tpu.pipeline_mode<synchronous>, transform_indices = @transform_1, window_bounds = array<i64: 512, 512>}, {pipeline_mode = #tpu.pipeline_mode<synchronous>, transform_indices = @transform_2, window_bounds = array<i64: 512, 512>}, {pipeline_mode = #tpu.pipeline_mode<synchronous>, transform_indices = @transform_3, window_bounds = array<i64: 512>}, {pipeline_mode = #tpu.pipeline_mode<synchronous>, transform_indices = @transform_4, window_bounds = array<i64: 512>}, {pipeline_mode = #tpu.pipeline_mode<synchronous>, transform_indices = @transform_5, window_bounds = array<i64: 1>}, {transform_indices = @transform_6, window_bounds = array<i64: 1, 2048>}]} {
    %get3A = arith.constant 0 : index
    %get3A_0 = arith.constant 0 : index
    %get3A_1 = vector.load %arg1[%get3A, %get3A_0] : memref<2048x512xf32, #tpu.memory_space<vmem>>, vector<2048x512xf32>
    %convert_element_type3A = arith.truncf %get3A_1 : vector<2048x512xf32> to vector<2048x512xbf16>
    %get3A_2 = arith.constant 0 : index
    %get3A_3 = arith.constant 0 : index
    %get3A_4 = vector.load %arg2[%get3A_2, %get3A_3] : memref<512x512xf32, #tpu.memory_space<vmem>>, vector<512x512xf32>
    %get3A_5 = arith.constant 0 : index
    %get3A_6 = arith.constant 0 : index
    %get3A_7 = vector.load %arg3[%get3A_5, %get3A_6] : memref<512x512xf32, #tpu.memory_space<vmem>>, vector<512x512xf32>
    %add3A = arith.addf %get3A_4, %get3A_7 : vector<512x512xf32>
    %convert_element_type3A_8 = arith.truncf %add3A : vector<512x512xf32> to vector<512x512xbf16>
    %dot_general3A = arith.constant dense<0.000000e+00> : vector<2048x512xf32>
    %dot_general3A_9 = tpu.matmul %convert_element_type3A, %convert_element_type3A_8, %dot_general3A {dimension_numbers = #tpu.dot_dimension_numbers<[1], [0], [0], [1], [0, 0, 1, 1], [], []>, transpose_lhs_hint = false} : vector<2048x512xbf16>, vector<512x512xbf16>, vector<2048x512xf32> -> vector<2048x512xf32>
    %get3A_10 = arith.constant 0 : index
    %get3A_11 = vector.load %arg4[%get3A_10] : memref<512xf32, #tpu.memory_space<vmem>>, vector<512xf32>
    %broadcast_in_dim3A = vector.shape_cast %get3A_11 : vector<512xf32> to vector<1x512xf32>
    %add3A_12 = vector.broadcast %broadcast_in_dim3A : vector<1x512xf32> to vector<2048x512xf32>
    %add3A_13 = arith.addf %dot_general3A_9, %add3A_12 : vector<2048x512xf32>
    %mul3A = arith.constant 5.000000e-01 : f32
    %mul3A_14 = vector.broadcast %mul3A : f32 to vector<2048x512xf32>
    %mul3A_15 = arith.mulf %mul3A_14, %add3A_13 : vector<2048x512xf32>
    %tanh3A = math.tanh %mul3A_15 : vector<2048x512xf32>
    %mul3A_16 = arith.constant 5.000000e-01 : f32
    %mul3A_17 = vector.broadcast %mul3A_16 : f32 to vector<2048x512xf32>
    %mul3A_18 = arith.mulf %mul3A_17, %tanh3A : vector<2048x512xf32>
    %add3A_19 = arith.constant 5.000000e-01 : f32
    %add3A_20 = vector.broadcast %add3A_19 : f32 to vector<2048x512xf32>
    %add3A_21 = arith.addf %mul3A_18, %add3A_20 : vector<2048x512xf32>
    %get3A_22 = arith.constant 0 : index
    %get3A_23 = vector.load %arg5[%get3A_22] : memref<512xf32, #tpu.memory_space<vmem>>, vector<512xf32>
    %reshape3A = vector.shape_cast %get3A_23 : vector<512xf32> to vector<1x512xf32>
    %convert_element_type3A_24 = arith.truncf %reshape3A : vector<1x512xf32> to vector<1x512xbf16>
    %convert_element_type3A_25 = arith.truncf %add3A_21 : vector<2048x512xf32> to vector<2048x512xbf16>
    %dot_general3A_26 = arith.constant dense<0.000000e+00> : vector<1x2048xf32>
    %dot_general3A_27 = tpu.matmul %convert_element_type3A_24, %convert_element_type3A_25, %dot_general3A_26 {dimension_numbers = #tpu.dot_dimension_numbers<[1], [1], [0], [0], [0, 0, 1, 0], [], []>, transpose_lhs_hint = false} : vector<1x512xbf16>, vector<2048x512xbf16>, vector<1x2048xf32> -> vector<1x2048xf32>
    %get3A_28 = arith.constant 0 : index
    %get3A_29 = vector.load %arg6[%get3A_28] : memref<1xf32, #tpu.memory_space<vmem>>, vector<1xf32>
    %get3A_30 = vector.extract %get3A_29[0] : f32 from vector<1xf32>
    %add3A_31 = vector.broadcast %get3A_30 : f32 to vector<1x2048xf32>
    %add3A_32 = arith.addf %dot_general3A_27, %add3A_31 : vector<1x2048xf32>
    %mul3A_33 = arith.constant 5.000000e-01 : f32
    %mul3A_34 = vector.broadcast %mul3A_33 : f32 to vector<1x2048xf32>
    %mul3A_35 = arith.mulf %mul3A_34, %add3A_32 : vector<1x2048xf32>
    %tanh3A_36 = math.tanh %mul3A_35 : vector<1x2048xf32>
    %mul3A_37 = arith.constant 5.000000e-01 : f32
    %mul3A_38 = vector.broadcast %mul3A_37 : f32 to vector<1x2048xf32>
    %mul3A_39 = arith.mulf %mul3A_38, %tanh3A_36 : vector<1x2048xf32>
    %add3A_40 = arith.constant 5.000000e-01 : f32
    %add3A_41 = vector.broadcast %add3A_40 : f32 to vector<1x2048xf32>
    %add3A_42 = arith.addf %mul3A_39, %add3A_41 : vector<1x2048xf32>
    %swap3A = arith.constant 0 : index
    %swap3A_43 = arith.constant 0 : index
    %swap3A_44 = vector.load %arg7[%swap3A, %swap3A_43] : memref<1x2048xf32, #tpu.memory_space<vmem>>, vector<1x2048xf32>
    tpu.vector_store %arg7[%swap3A, %swap3A_43], %add3A_42 {strides = array<i32>} : memref<1x2048xf32, #tpu.memory_space<vmem>>, vector<1x2048xf32>,
    return
  }
  func.func @transform_0(%arg0: i32) -> (i32, i32) {
    %c0_i32 = arith.constant 0 : i32
    %c0_i32_0 = arith.constant 0 : i32
    return %arg0, %c0_i32 : i32, i32
  }
  func.func @transform_1(%arg0: i32) -> (i32, i32) {
    %c0_i32 = arith.constant 0 : i32
    %c0_i32_0 = arith.constant 0 : i32
    %c0_i32_1 = arith.constant 0 : i32
    return %c0_i32, %c0_i32_0 : i32, i32
  }
  func.func @transform_2(%arg0: i32) -> (i32, i32) {
    %c0_i32 = arith.constant 0 : i32
    %c0_i32_0 = arith.constant 0 : i32
    %c0_i32_1 = arith.constant 0 : i32
    return %c0_i32, %c0_i32_0 : i32, i32
  }
  func.func @transform_3(%arg0: i32) -> i32 {
    %c0_i32 = arith.constant 0 : i32
    %c0_i32_0 = arith.constant 0 : i32
    return %c0_i32 : i32
  }
  func.func @transform_4(%arg0: i32) -> i32 {
    %c0_i32 = arith.constant 0 : i32
    %c0_i32_0 = arith.constant 0 : i32
    return %c0_i32 : i32
  }
  func.func @transform_5(%arg0: i32) -> i32 {
    %c0_i32 = arith.constant 0 : i32
    %c0_i32_0 = arith.constant 0 : i32
    return %c0_i32 : i32
  }
  func.func @transform_6(%arg0: i32) -> (i32, i32) {
    %c0_i32 = arith.constant 0 : i32
    %c0_i32_0 = arith.constant 0 : i32
    return %c0_i32, %arg0 : i32, i32
  }
}

</mosaic_0001>

<sc_bundles>
// kernel: kernel.4.cloned.1.call-start
scs
__scs_entry_jumppad:
0x0: {  	(pc) =	sbr.rel $0x88, $3  }
0x1: {  	(tag) =	ssettag $0x0;
	lr =	simm.s32 $0x1  }
0x2: {  	[smem:$0x3F98] =	sst lr;
	_ =	strace $0xD0000000  }
0x3: {  	_ = 	snop  }
0x4: {  	_ = 	snop  }
0x5: {  	_ = 	snop  }
0x6: {  	_ = 	snop  }
0x7: {  	_ = 	snop  }
__scs_overlays_trampoline_lowered:
0x8: {  	[smem:$0x3FA7] =	sst s0  }
0x9: {  	[smem:$0x3FA8] =	sst s1  }
0xa: {  	[smem:$0x3FA9] =	sst s2  }
0xb: {  	[smem:$0x3FAA] =	sst s3  }
0xc: {  	[smem:$0x3FAB] =	sst s4  }
0xd: {  	[smem:$0x3FAC] =	sst s5  }
0xe: {  	[smem:$0x3FAD] =	sst s6  }
0xf: {  	[smem:$0x3FAE] =	sst s7  }
0x10: {  	[smem:$0x3FAF] =	sst s8  }
0x11: {  	[smem:$0x3FB0] =	sst s9;
	s0 =	simm.s32 @!p0 $0x0  }
0x12: {  	s1 =	sld [smem:$0x3F96];
	s0 =	simm.s32 @p0 $0x1  }
0x13: {  	[smem:$0x3FB1] =	sst s0;
	s0 =	simm.s32 @!p1 $0x0  }
0x14: {  	s2 =	sld [smem:$0x3F95];
	s0 =	simm.s32 @p1 $0x1  }
0x15: {  	[smem:$0x3FB2] =	sst s0;
	s0 =	simm.s32 @!p2 $0x0  }
0x16: {  	s3 =	sld [smem:$0x3FDB];
	s0 =	simm.s32 @p2 $0x1  }
0x17: {  	s4 =	simm.s32 $0x1BF5;
	[smem:$0x3FB4] =	sst s0  }
0x18: {  	s0 =	sld [smem:$0x3F97];
	_ =	swait.ge [sflag:s4], $0x0  }
0x19: {  	s7 =	sld [smem:$0x3F98]  }
0x1a: {  	s8 =	sadd.s32 $0xFFFFE003, lr  }
0x1b: {  	s9 =	sadd.s32 $0xFFFFFEF7, lr;
	s5 =	simm.s32 $0xFFFFFFFF;
	p2 =	slt.u32 s8, $0xFFFFF086  }
0x1c: {  	p1 =	slt.u32 s9, $0xF7A;
	s5 =	simm.s32 @!p2 $0x0  }
0x1d: {  	s5 =	simm.s32 @p1 $0x1;
	p0 =	seq.s32 s7, s2  }
0x1e: {  	s7 =	smul.u32 @!p0 $0xF7A, s2;
	p2 =	seq.s32 @!p0 s5, $0x0  }
0x1f: {  	s9 =	smul.u32 $0xF7A, s1;
	s8 =	simm.s32 @!p0 $0x1BF5;
	p2 =	por !p2, p0  }
0x20: {  	[sflag:s8] =	ssyncset.s32 @!p0 $0xFFFFF086;
	s6 =	sadd.s32 @!p0 s3, s7;
	s7 =	simm.s32 @!p0 $0x108  }
0x21: {  	s3 =	sadd.s32 s3, s9;
	s6 =	sadd.s32 @!p0 $0x88, s6;
	s7 =	simm.s32 @p2 $0x1082  }
0x22: {  	[simem:s7], [sflag:s8] =	dma.local @!p0 [hbm:s6], $0xF7A  }
0x23: {  	s9 =	sor.u32 $0xD0000000, s2;
	s6 =	simm.s32 $0x108;
	_ =	swait.ge @!p0 [sflag:s8], $0x0  }
0x24: {  	s3 =	sadd.s32 $0x88, s3;
	s6 =	simm.s32 @!p1 $0x1082;
	[sflag:s4] =	ssyncset.s32 $0xFFFFF086  }
0x25: {  	[simem:s6], [sflag:s4] =	dma.local [hbm:s3], $0xF7A  }
0x26: {  	[smem:$0x3F98] =	sst s1;
	(tag) =	ssettag s2;
	_ =	strace s9  }
0x27: {  	s1 =	sld [smem:$0x3FA8]  }
0x28: {  	s2 =	sld [smem:$0x3FA9]  }
0x29: {  	s4 =	sld [smem:$0x3FAB]  }
0x2a: {  	p0 =	seq.s32 s5, $0x0;
	s5 =	sld [smem:$0x3FAC]  }
0x2b: {  	s6 =	sld [smem:$0x3FAD]  }
0x2c: {  	s7 =	sld [smem:$0x3FAE]  }
0x2d: {  	s3 =	simm.s32 $0x108;
	s8 =	sld [smem:$0x3FAF]  }
0x2e: {  	s3 =	simm.s32 @!p0 $0x1082;
	s9 =	sld [smem:$0x3FB0]  }
0x2f: {  	lr =	sadd.s32 s0, s3;
	s0 =	sld [smem:$0x3FA7]  }
0x30: {  	s3 =	sld [smem:$0x3FAA]  }
0x31: {  	[smem:$0x3FB3] =	sst s10  }
0x32: {  	s10 =	sld [smem:$0x3FB1];
	_ =	sdelay $0x3  }
0x33: {  	p0 =	seq.s32 s10, $0x1;
	s10 =	sld [smem:$0x3FB3];
	_ =	sdelay $0x3  }
0x34: {  	[smem:$0x3FB3] =	sst s10  }
0x35: {  	s10 =	sld [smem:$0x3FB2];
	_ =	sdelay $0x3  }
0x36: {  	p1 =	seq.s32 s10, $0x1;
	s10 =	sld [smem:$0x3FB3];
	_ =	sdelay $0x3  }
0x37: {  	[smem:$0x3FB3] =	sst s10  }
0x38: {  	s10 =	sld [smem:$0x3FB4]  }
0x39: {  	_ = 	snop;
	(pc) =	sbr.ind lr, $3  }
0x3a: {  	_ = 	snop  }
0x3b: {  	_ = 	snop  }
0x3c: {  	p2 =	seq.s32 s10, $0x1;
	s10 =	sld [smem:$0x3FB3]  }
0x3d: {  	_ =	shalt  }
0x3e: {  	_ =	shalt  }
0x3f: {  	_ =	shalt  }
0x40: {  	_ =	shalt  }
0x41: {  	_ =	shalt  }
0x42: {  	_ =	shalt  }
0x43: {  	_ =	shalt  }
0x44: {  	_ =	shalt  }
0x45: {  	_ =	shalt  }
0x46: {  	_ =	shalt  }
0x47: {  	_ =	shalt  }
0x48: {  	_ =	shalt  }
0x49: {  	_ =	shalt  }
0x4a: {  	_ =	shalt  }
0x4b: {  	_ =	shalt  }
0x4c: {  	_ =	shalt  }
0x4d: {  	_ =	shalt  }
0x4e: {  	_ =	shalt  }
0x4f: {  	_ =	shalt  }
0x50: {  	_ =	shalt  }
0x51: {  	_ =	shalt  }
0x52: {  	_ =	shalt  }
0x53: {  	_ =	shalt  }
0x54: {  	_ =	shalt  }
0x55: {  	_ =	shalt  }
0x56: {  	_ =	shalt  }
0x57: {  	_ =	shalt  }
0x58: {  	_ =	shalt  }
0x59: {  	_ =	shalt  }
0x5a: {  	_ =	shalt  }
0x5b: {  	_ =	shalt  }
0x5c: {  	_ =	shalt  }
0x5d: {  	_ =	shalt  }
0x5e: {  	_ =	shalt  }
0x5f: {  	_ =	shalt  }
0x60: {  	_ =	shalt  }
0x61: {  	_ =	shalt  }
0x62: {  	_ =	shalt  }
0x63: {  	_ =	shalt  }
0x64: {  	_ =	shalt  }
0x65: {  	_ =	shalt  }
0x66: {  	_ =	shalt  }
0x67: {  	_ =	shalt  }
0x68: {  	_ =	shalt  }
0x69: {  	_ =	shalt  }
0x6a: {  	_ =	shalt  }
0x6b: {  	_ =	shalt  }
0x6c: {  	_ =	shalt  }
0x6d: {  	_ =	shalt  }
0x6e: {  	_ =	shalt  }
0x6f: {  	_ =	shalt  }
0x70: {  	_ =	shalt  }
0x71: {  	_ =	shalt  }
0x72: {  	_ =	shalt  }
0x73: {  	_ =	shalt  }
0x74: {  	_ =	shalt  }
0x75: {  	_ =	shalt  }
0x76: {  	_ =	shalt  }
0x77: {  	_ =	shalt  }
0x78: {  	_ =	shalt  }
0x79: {  	_ =	shalt  }
0x7a: {  	_ =	shalt  }
0x7b: {  	_ =	shalt  }
0x7c: {  	_ =	shalt  }
0x7d: {  	_ =	shalt  }
0x7e: {  	_ =	shalt  }
0x7f: {  	_ =	shalt  }
0x80: {  	_ =	shalt  }
0x81: {  	_ =	shalt  }
0x82: {  	_ =	shalt  }
0x83: {  	_ =	shalt  }
0x84: {  	_ =	shalt  }
0x85: {  	_ =	shalt  }
0x86: {  	_ =	shalt  }
0x87: {  	_ =	shalt  }
.Lfunc_end0:
.L_simem_size_0:
called_computation_lowered:
.L_overlay_start_0:
0x88: {  	s2 =	sld [smem:$0x3FD9]  }
0x89: {  	s3 =	sld [smem:$0x3FFE];
	_ =	sdelay $0x1  }
0x8a: {  	s1 =	srdreg.scid  }
0x8b: {  	s0 =	sand.u32 $0x1, s1  }
0x8c: {  	s17 =	sshll.u32 s0, $0xA;
	s2 =	sadd.s32 s3, s2  }
0x8d: {  	s2 =	sadd.s32 s2, s17  }
0x8e: {  	[smem:$0x3FBF] =	sst s2  }
0x8f: {  	_ = 	snop  }
0x90: {  	s2 =	sld [smem:$0x3FC8]  }
0x91: {  	s18 =	sld [smem:$0x3FC6]  }
0x92: {  	s4 =	sld [smem:$0x3FC4]  }
0x93: {  	s5 =	sld [smem:$0x3FC3]  }
0x94: {  	s6 =	sld [smem:$0x3FC2]  }
0x95: {  	s7 =	sld [smem:$0x3FC1]  }
0x96: {  	s8 =	sld [smem:$0x3FD0];
	(tm) =	ssettm $0x1  }
0x97: {  	s9 =	sld [smem:$0x3FFB];
	_ =	sdelay $0x3  }
0x98: {  	_ =	strace s9  }
0x99: {  	s9 =	sld [smem:$0x3FFC];
	_ =	sdelay $0x3  }
0x9a: {  	_ =	strace s9  }
0x9b: {  	s9 =	sld [smem:$0x3FFD];
	_ =	sdelay $0x3  }
0x9c: {  	_ =	strace s9  }
0x9d: {  	_ =	strace $0x8FFFFFFF  }
0x9e: {  	s19 =	sld [smem:$0x3FDB];
	_ =	sdelay $0x1  }
0x9f: {  	s10 =	simm.s32 $_scs_section_size  }
0xa0: {  	s11 =	simm.s32 $_size__tile_overlayer_lowered;
	s12 =	simm.s32 $_tile_overlayer_lowered  }
0xa1: {  	s22 =	simm.s32 $0x1BFF;
	s21 =	sshll.u32 s12, $0x1;
	s9 =	sadd.s32 s10, s19  }
0xa2: {  	s13 =	simm.s32 $0x0;
	s20 =	sshll.u32 s11, $0x1;
	s11 =	sadd.s32 s21, s9  }
0xa3: {  	[timem:s13], [sflag:s22] =	dma.local [hbm:s11], s20  }
0xa4: {  	_ =	swait.ge [sflag:s22], s20  }
0xa5: {  	s10 =	ssub.s32 $0x0, s20;
	[sflag:s22] =	ssyncset.done $0x0  }
0xa6: {  	[sflag:s22] =	ssyncadd.s32 s10;
	_ =	sdelay $0x1  }
0xa7: {  	s23 =	simm.s32 $0x1B8B  }
0xa8: {  	_ =	swait.ge [sflag:s23], $0x1  }
0xa9: {  	[sflag:s23] =	ssyncset.done $0x0  }
0xaa: {  	s25 =	simm.s32 $0x1B8E;
	s24 =	sld [smem:$0x3FFE];
	[sflag:s23] =	ssyncadd.s32 $0xFFFFFFFF  }
0xab: {  	s26 =	simm.s32 $execute0_lowered;
	[smem:$0x3FD2] =	sst s25  }
0xac: {  	s11 =	sshll.u32 s26, $0x1;
	_ =	strace $0x80000046;
	[dreg:$0x1] =	wrdreg $0xFFFFFFFF  }
0xad: {  	s28 =	simm.s32 $_size_execute0_lowered;
	s9 =	sadd.s32 s9, s11;
	[dreg:$0x0] =	wrdreg $0x0  }
0xae: {  	s11 =	sshll.u32 s28, $0x1;
	[dreg:$0x2] =	wrdreg s9  }
0xaf: {  	[dreg:$0x3] =	wrdreg s11  }
0xb0: {  	[dreg:$0x4] =	wrdreg $0xC0  }
0xb1: {  	_ =	task [dreg:s13], $0x5FFFF  }
0xb2: {  	[dreg:$0x1] =	wrdreg $0xFFFFFFFF  }
0xb3: {  	[dreg:$0x0] =	wrdreg $0x60  }
0xb4: {  	[dreg:$0x2] =	wrdreg s5  }
0xb5: {  	[dreg:$0x3] =	wrdreg s4  }
0xb6: {  	[dreg:$0x4] =	wrdreg s2  }
0xb7: {  	[dreg:$0x5] =	wrdreg s7  }
0xb8: {  	[dreg:$0x6] =	wrdreg s6  }
0xb9: {  	[dreg:$0x7] =	wrdreg s18  }
0xba: {  	[dreg:$0x8] =	wrdreg s24  }
0xbb: {  	[dreg:$0x9] =	wrdreg s8  }
0xbc: {  	[dreg:$0xa] =	wrdreg $0x9  }
0xbd: {  	_ =	task.clear_ibuf [dreg:s13], $0xBFFFF;
	_ =	strace $0x90000046  }
0xbe: {  	s29 =	simm.s32 $0x9;
	_ =	strace $0x80000048  }
0xbf: {  	_ =	swait.ge [sflag:s29], $0x1  }
0xc0: {  	[sflag:s29] =	ssyncadd.s32 $0xFFFFFFFF  }
0xc1: {  	_ =	strace $0x90000048  }
0xc2: {  	_ =	sfence  }
0xc3: {  	s30 =	sld [smem:$0x0];
	_ =	sdelay $0x2  }
0xc4: {  	s31 =	sshll.u32 s1, $0xD;
	s1 =	sshrl.u32 s1, $0x2  }
0xc5: {  	s3 =	sand.u32 $0x4000, s31;
	s1 =	sadd.s32 s1, s30  }
0xc6: {  	s0 =	sor.u32 s3, s0;
	s1 =	sshll.u32 s1, $0x11  }
0xc7: {  	s0 =	sor.u32 s1, s0  }
0xc8: {  	s0 =	sadd.s32 $0x8F2B, s0  }
0xc9: {  	[sflag:s0] =	ssyncadd.remote.s32 $0x1  }
0xca: {  	_ =	sfence.sel $0xFFFF  }
0xcb: {  	[dreg:$0x0] =	wrdreg $0xFFFFFFFF;
	(pc) =	sbr.abs _section_cstart, $3  }
0xcc: {  	[dreg:$0x1] =	wrdreg $0xFFFFFFFF  }
0xcd: {  	_ =	task.clear_ibuf [dreg:s13], $0x2FFFF;
	_ =	strace $0x9FFFFFFF  }
0xce: {  	(tm) =	ssettm $0x7FFFFFFF  }
0xcf: {  	_ =	shalt  }
tec
execute0_lowered:
.L_overlay_start_1:
0x0: {  	(tag) =	ssettag $0x1  }
0x1: {  	s6 =	rddreg [dreg:$0x0]  }
0x2: {  	s7 =	rddreg [dreg:$0x1]  }
0x3: {  	s8 =	rddreg [dreg:$0x2]  }
0x4: {  	s1 =	rddreg [dreg:$0x3]  }
0x5: {  	s2 =	rddreg [dreg:$0x4]  }
0x6: {  	s3 =	rddreg [dreg:$0x5]  }
0x7: {  	s9 =	rddreg [dreg:$0x6]  }
0x8: {  	s10 =	rddreg [dreg:$0x7]  }
0x9: {  	s0 =	rddreg [dreg:$0x8]  }
0xa: {  	s5 =	simm.s32 $0x0;
	s11 =	srdreg.scid;
	s4 =	stileid.u32  }
0xb: {  	s15 =	simm.s32 $0xC680;
	s16 =	simm.s32 $0x4200;
	s17 =	simm.s32 $0xC480  }
0xc: {  	s18 =	simm.s32 $0x1;
	s19 =	simm.s32 $0x8400;
	s21 =	simm.s32 $0xC400  }
0xd: {  	s22 =	simm.s32 $0x0;
	[smem:$0x7FF] =	sst s5;
	s11 =	sand.u32 $0x1, s11  }
0xe: {  	s12 =	sshll.u32 s4, $0xB;
	s20 =	sshll.u32 s4, $0x5;
	s31 =	sshll.u32 s4, $0x2  }
0xf: {  	_ =	strace $0x80000047;
	s13 =	ssub.s32 $0x2, s11;
	s12 =	sadd.s32 s12, s9  }
.Ltmp0:
0x10: {  	s14 =	sshll.u32 s11, $0xB;
	p0 =	seq.s32 s11, $0x1;
	(pc) =	sbr.rel .LBB2_1-.Ltmp0, $4  }
0x11: {  	s10 =	sadd.s32 s10, s31;
	v0 =	vmov s20;
	s20 =	simm.s32 $0x2;
	s30 =	sshrl.u32 s13, $0x1  }
0x12: {  	s6 =	sadd.s32 s6, s14;
	s7 =	sadd.s32 s7, s14;
	s8 =	sadd.s32 s8, s14  }
0x13: {  	s9 =	sadd.s32 $0x1000, s12;
	s11 =	sadd.s32 $0x9000, s12;
	s13 =	ssub.s32 s13, s30  }
0x14: {  	v1 =	vimm.f32 $0.0e+00;
	s14 =	simm.s32 $0x4400;
	s12 =	smax.u32 s13, $0x1;
	s13 =	simm.s32 $0x200  }
.LBB2_9:
0x15: {  	[hbm4b:s11+s5] =	stream.linear.scatter [tilespmem:s19], [sflag:$0x2], $0x4000, $0x38;
	[tilespmem:$0x10680] =	vst v63  }
0x16: {  	_ =	swait.ge [sflag:s20], $0x4000  }
0x17: {  	[sflag:s20] =	ssyncset.done $0x0  }
0x18: {  	[sflag:s20] =	ssyncadd.s32 $0xFFFFC000  }
.LBB2_10:
0x19: {  	s22 =	sadd.s32 $0x1, s22  }
0x1a: {  	p1 =	sne.s32 s22, s12  }
.Ltmp1:
0x1b: {  	_ = 	snop;
	(pc) =	sbr.rel @!p1 .LBB2_11-.Ltmp1, $1  }
0x1c: {  	_ =	sdelay $0x3  }
.LBB2_1:
0x1d: {  	[tilespmem:s13], [sflag:$0x1] =	stream.linear.gather [hbm4b:s6+s5], $0x4000, $0x38;
	[tilespmem:$0x10680] =	vst v63  }
0x1e: {  	_ = 	snop  }
0x1f: {  	[tilespmem:s14], [sflag:$0x1] =	stream.linear.gather [hbm4b:s7+s5], $0x4000, $0x38;
	[tilespmem:$0x10680] =	vst v63  }
0x20: {  	s23 =	simm.s32 $0x0  }
0x21: {  	[tilespmem:s15], [sflag:$0x1] =	stream.linear.gather [hbm4b:s8+s5], $0x4000, $0x38;
	[tilespmem:$0x10680] =	vst v63  }
0x22: {  	s24 =	sand.u32 $0xC00, s5;
	s25 =	simm.s32 $0x0;
	s23 =	sand.u32 $0x3000, s23  }
0x23: {  	[tilespmem:s5], [sflag:$0x1] =	stream.linear.gather [hbm4b:s1+s5], $0x200, $0x38;
	[tilespmem:$0x10680] =	vst v63  }
0x24: {  	s25 =	sand.u32 $0x380, s25;
	s23 =	sor.u32 s24, s23  }
0x25: {  	[tilespmem:s16], [sflag:$0x1] =	stream.linear.gather [hbm4b:s2+s5], $0x200, $0x38;
	[tilespmem:$0x10680] =	vst v63  }
0x26: {  	s23 =	sor.u32 s25, s23  }
0x27: {  	[tilespmem:s17], [sflag:$0x1] =	stream.linear.gather [hbm4b:s3+s5], $0x200, $0x38;
	[tilespmem:$0x10680] =	vst v63  }
0x28: {  	[tilespmem:s23+$0x8470] =	vst v1  }
0x29: {  	[tilespmem:s23+$0x8400] =	vst v1  }
0x2a: {  	s24 =	simm.s32 $0x0;
	s25 =	simm.s32 $0x0;
	[tilespmem:s23+$0x8410] =	vst v1  }
.LBB2_2:
0x2b: {  	s24 =	sadd.s32 $0x8, s24;
	[tilespmem:s23+$0x8420] =	vst v1  }
0x2c: {  	s25 =	sadd.s32 $0x400, s25;
	s26 =	sshll.u32 s24, $0x4;
	p1 =	slt.u32 s24, $0x3F8;
	[tilespmem:s23+$0x8430] =	vst v1  }
0x2d: {  	s28 =	sand.u32 $0xC00, s25;
	s29 =	sshll.u32 s24, $0x2;
	s26 =	sand.u32 $0x3000, s26;
	[tilespmem:s23+$0x8440] =	vst v1  }
.Ltmp2:
0x2e: {  	s29 =	sand.u32 $0x380, s29;
	s26 =	sor.u32 s28, s26;
	[tilespmem:s23+$0x8450] =	vst v1;
	(pc) =	sbr.rel @p1 .LBB2_2-.Ltmp2, $4  }
0x2f: {  	[tilespmem:s23+$0x8460] =	vst v1;
	s23 =	sor.u32 s29, s26  }
0x30: {  	[tilespmem:s23+$0x8470] =	vst v1  }
0x31: {  	[tilespmem:s23+$0x8400] =	vst v1  }
0x32: {  	[tilespmem:s23+$0x8410] =	vst v1  }
0x33: {  	[tilespmem:s23+$0x8420] =	vst v1  }
0x34: {  	[tilespmem:s23+$0x8430] =	vst v1  }
0x35: {  	[tilespmem:s23+$0x8440] =	vst v1  }
0x36: {  	[tilespmem:s23+$0x8450] =	vst v1  }
0x37: {  	[tilespmem:s23+$0x8460] =	vst v1  }
0x38: {  	[tilespmem:$0xC400] =	vst v1  }
0x39: {  	[tilespmem:$0xC410] =	vst v1  }
0x3a: {  	_ =	swait.ge [sflag:s18], $0x4000  }
0x3b: {  	[sflag:s18] =	ssyncset.done $0x0  }
0x3c: {  	[sflag:s18] =	ssyncadd.s32 $0xFFFFC000  }
0x3d: {  	_ =	swait.ge [sflag:s18], $0x4000  }
0x3e: {  	[sflag:s18] =	ssyncset.done $0x0  }
0x3f: {  	[sflag:s18] =	ssyncadd.s32 $0xFFFFC000  }
0x40: {  	_ =	swait.ge [sflag:s18], $0x4000  }
0x41: {  	[sflag:s18] =	ssyncset.done $0x0  }
0x42: {  	[sflag:s18] =	ssyncadd.s32 $0xFFFFC000  }
0x43: {  	_ =	swait.ge [sflag:s18], $0x200  }
0x44: {  	[sflag:s18] =	ssyncset.done $0x0  }
0x45: {  	[sflag:s18] =	ssyncadd.s32 $0xFFFFFE00  }
0x46: {  	_ =	swait.ge [sflag:s18], $0x200  }
0x47: {  	[sflag:s18] =	ssyncset.done $0x0  }
0x48: {  	[sflag:s18] =	ssyncadd.s32 $0xFFFFFE00  }
0x49: {  	_ =	swait.ge [sflag:s18], $0x200  }
0x4a: {  	[sflag:s18] =	ssyncset.done $0x0  }
0x4b: {  	s31 =	simm.s32 $0x4440;
	[sflag:s18] =	ssyncadd.s32 $0xFFFFFE00  }
0x4c: {  	v4 =	vld [tilespmem:s31+$0xFFFFFFC0]  }
0x4d: {  	v7 =	vld [tilespmem:s31+$0x10]  }
0x4e: {  	v6 =	vld [tilespmem:s31+$0x0]  }
0x4f: {  	s24 =	simm.s32 $0x240;
	v8 =	vld [tilespmem:s31+$0xFFFFFFF0]  }
0x50: {  	v10 =	vld [tilespmem:s24+$0x30]  }
0x51: {  	v3 =	vld [tilespmem:s31+$0xFFFFFFE0]  }
0x52: {  	v11 =	vld [tilespmem:s24+$0xFFFFFFD0]  }
0x53: {  	v2 =	vld [tilespmem:s31+$0x20]  }
0x54: {  	v22 =	vld [tilespmem:s24+$0x0]  }
0x55: {  	v9 =	vld [tilespmem:s24+$0xFFFFFFC0]  }
0x56: {  	v12 =	vld [tilespmem:s24+$0x10];
	v5 =	vshll.u32 v7, $0x3;
	v13 =	vshll.u32 v6, $0x3  }
0x57: {  	v16 =	vld [tilespmem:s31+$0xFFFFFFD0];
	v14 =	vshll.u32 v8, $0x3;
	v15 =	vshll.u32 v4, $0x3;
	v20 =	vshll.u32 v3, $0x3  }
0x58: {  	v11 =	vsub.s32 v11, v0;
	v10 =	vsub.s32 v10, v0;
	v19 =	vshll.u32 v2, $0x3  }
0x59: {  	v24 =	vand.u32 $0x7F, v6;
	v22 =	vsub.s32 v22, v0;
	v17 =	vand.u32 $0xFFFFFC00, v5  }
0x5a: {  	v5 =	vand.u32 $0x7F, v4;
	v18 =	vand.u32 $0xFFFFFC00, v15;
	v15 =	vsub.s32 v9, v0  }
0x5b: {  	v4 =	vand.u32 $0x7F, v8;
	vm0 =	vlt.u32 v11, $0x20;
	v8 =	vsub.s32 v12, v0  }
0x5c: {  	v21 =	vand.u32 $0xFFFFFC00, v14;
	v6 =	vand.u32 $0xFFFFFC00, v19;
	v19 =	vshll.u32 v16, $0x3  }
0x5d: {  	vm4 =	vlt.u32 v10, $0x20;
	v13 =	vand.u32 $0xFFFFFC00, v13;
	vm6 =	vlt.u32 v22, $0x20  }
0x5e: {  	v9 =	vld [tilespmem:s31+$0x30];
	v20 =	vand.u32 $0xFFFFFC00, v20;
	vm1 =	vlt.u32 v15, $0x20;
	vm2 =	vlt.u32 v8, $0x20  }
0x5f: {  	v12 =	vld [tilespmem:s24+$0xFFFFFFE0];
	v19 =	vand.u32 $0xFFFFFC00, v19;
	v10 =	vnsel vm4, $0x0, v10;
	v26 =	vnsel vm2, $0x0, v8  }
0x60: {  	v14 =	vld [tilespmem:s24+$0xFFFFFFF0];
	v8 =	vnsel vm0, $0x0, v11;
	v11 =	vand.u32 $0x7F, v16;
	v15 =	vnsel vm1, $0x0, v15  }
0x61: {  	v27 =	vshll.u32 v10, $0x9;
	v28 =	vshll.u32 v10, $0x7;
	v16 =	vshll.u32 v8, $0x9  }
0x62: {  	v23 =	vshll.u32 v15, $0x9;
	v8 =	vshll.u32 v8, $0x7;
	v31 =	vand.u32 $0xFFFFF000, v27  }
0x63: {  	v33 =	vshll.u32 v26, $0x9;
	v29 =	vshll.u32 v26, $0x7;
	v28 =	vand.u32 $0x380, v28  }
0x64: {  	v16 =	vand.u32 $0xFFFFF000, v16;
	v23 =	vand.u32 $0xFFFFF000, v23;
	v30 =	vshll.u32 v9, $0x3  }
0x65: {  	s23 =	simm.s32 $0xC6C0;
	v12 =	vsub.s32 v12, v0;
	v14 =	vsub.s32 v14, v0;
	v25 =	vadd.s32 v19, v16  }
0x66: {  	v32 =	vld [tilespmem:s23+$0x0];
	v16 =	vadd.s32 v18, v23;
	v19 =	vand.u32 $0x7F, v7;
	v18 =	vnsel vm6, $0x0, v22  }
0x67: {  	v7 =	vld [tilespmem:s23+$0xFFFFFFE0];
	v22 =	vand.u32 $0x380, v8;
	vm5 =	vlt.u32 v14, $0x20;
	v10 =	vshll.u32 v18, $0x9  }
0x68: {  	v8 =	vld [tilespmem:s23+$0x20];
	v18 =	vshll.u32 v18, $0x7;
	v14 =	vnsel vm5, $0x0, v14;
	v10 =	vand.u32 $0xFFFFF000, v10  }
0x69: {  	v23 =	vshll.u32 v14, $0x9;
	v10 =	vadd.s32 v13, v10;
	v13 =	vand.u32 $0x380, v18;
	v18 =	vld [tilespmem:s23+$0x30]  }
0x6a: {  	vm3 =	vlt.u32 v12, $0x20;
	v27 =	vand.u32 $0xFFFFF000, v23;
	v13 =	vor.u32 v13, v10;
	v10 =	vld [tilespmem:s23+$0xFFFFFFF0]  }
0x6b: {  	v23 =	vor.u32 v22, v25;
	v22 =	vnsel vm3, $0x0, v12;
	v12 =	vshll.u32 v14, $0x7;
	v14 =	vld [tilespmem:s23+$0xFFFFFFC0]  }
0x6c: {  	v33 =	vand.u32 $0xFFFFF000, v33;
	v34 =	vand.u32 $0xFFFFFC00, v30;
	v25 =	vadd.s32 v21, v27;
	v27 =	vld [tilespmem:s24+$0x20]  }
0x6d: {  	v30 =	vadd.s32 v17, v33;
	v17 =	vadd.s32 v34, v31;
	v26 =	vand.u32 $0x380, v12;
	v21 =	vld [tilespmem:s23+$0xFFFFFFD0]  }
0x6e: {  	s25 =	simm.s32 $0x2C0;
	s26 =	simm.s32 $0x44C0;
	v12 =	vor.u32 v24, v13;
	s24 =	simm.s32 $0x0;
	v13 =	vnsel vm6, $0x0, v32;
	v24 =	vld [tilespmem:s23+$0x10];
	v18 =	vnsel vm4, $0x0, v18  }
.LBB2_4:
0x6f: {  	v31 =	vld [tilespmem:s26+$0xFFFFFFC0];
	s24 =	sadd.s32 $0x8, s24;
	v15 =	vshll.u32 v15, $0x7;
	v32 =	vshll.u32 v22, $0x9;
	v29 =	vand.u32 $0x380, v29;
	s23 =	sadd.s32 $0x80, s23  }
0x70: {  	v9 =	vand.u32 $0x7F, v9;
	v33 =	vld [tilespmem:s26+$0x10];
	p1 =	slt.u32 s24, $0x3F8;
	v15 =	vand.u32 $0x380, v15;
	v29 =	vor.u32 v29, v30  }
0x71: {  	v17 =	vor.u32 v28, v17;
	v30 =	vld [tilespmem:s26+$0x0];
	v19 =	vor.u32 v19, v29;
	v27 =	vsub.s32 v27, v0  }
0x72: {  	v11 =	vor.u32 v11, v23;
	v15 =	vor.u32 v15, v16;
	v16 =	vor.u32 v26, v25;
	v28 =	vld [tilespmem:s26+$0xFFFFFFF0]  }
0x73: {  	v22 =	vshll.u32 v22, $0x7;
	v25 =	vand.u32 $0x7F, v3;
	v3 =	vand.u32 $0xFFFFF000, v32;
	v23 =	vld [tilespmem:s25+$0x30]  }
0x74: {  	v15 =	vor.u32 v5, v15;
	v3 =	vadd.s32 v20, v3;
	v5 =	vand.u32 $0x380, v22;
	v26 =	vld [tilespmem:s25+$0x10]  }
0x75: {  	v9 =	vor.u32 v9, v17;
	v29 =	vor.u32 v5, v3;
	v20 =	vld [tilespmem:s25+$0xFFFFFFC0];
	v22 =	vshll.u32 v33, $0x3  }
0x76: {  	v34 =	vand.u32 $0x7F, v2;
	vm7 =	vlt.u32 v27, $0x20;
	v3 =	vld [tilespmem:s26+$0xFFFFFFE0];
	v32 =	vshll.u32 v30, $0x3  }
0x77: {  	v24 =	vnsel vm2, $0x0, v24;
	v5 =	vnsel vm7, $0x0, v27;
	v35 =	vld [tilespmem:s25+$0xFFFFFFD0];
	v36 =	vshll.u32 v28, $0x3  }
0x78: {  	v21 =	vnsel vm0, $0x0, v21;
	v27 =	vshll.u32 v31, $0x3;
	v38 =	vshll.u32 v5, $0x7;
	v37 =	vld [tilespmem:s25+$0x0]  }
0x79: {  	v16 =	vor.u32 v4, v16;
	v4 =	vshll.u32 v5, $0x9;
	v17 =	vand.u32 $0xFFFFFC00, v22;
	v2 =	vld [tilespmem:s26+$0x20]  }
0x7a: {  	v14 =	vnsel vm1, $0x0, v14;
	v5 =	vand.u32 $0x7F, v31;
	v4 =	vand.u32 $0xFFFFF000, v4;
	v22 =	vld [tilespmem:s26+$0xFFFFFFD0]  }
0x7b: {  	v27 =	vand.u32 $0xFFFFFC00, v27;
	v6 =	vadd.s32 v6, v4;
	v31 =	vshll.u32 v3, $0x3;
	[tilespmem:v19+s19+$0x0] =	vst.idx.add.f32.msk vm2, v24  }
0x7c: {  	v24 =	vor.u32 v25, v29;
	v25 =	vand.u32 $0x380, v38;
	v19 =	vsub.s32 v35, v0;
	[tilespmem:v9+s19+$0x0] =	vst.idx.add.f32.msk vm4, v18  }
0x7d: {  	v4 =	vand.u32 $0x7F, v28;
	v18 =	vsub.s32 v20, v0;
	v6 =	vor.u32 v25, v6;
	[tilespmem:v15+s19+$0x0] =	vst.idx.add.f32.msk vm1, v14  }
0x7e: {  	vm1 =	vlt.u32 v18, $0x20;
	v14 =	vsub.s32 v26, v0;
	[tilespmem:v11+s19+$0x0] =	vst.idx.add.f32.msk vm0, v21;
	vm0 =	vlt.u32 v19, $0x20  }
0x7f: {  	v20 =	vsub.s32 v23, v0;
	vm2 =	vlt.u32 v14, $0x20;
	v11 =	vor.u32 v34, v6;
	v9 =	vld [tilespmem:s26+$0x30]  }
0x80: {  	v28 =	vand.u32 $0x7F, v30;
	v21 =	vand.u32 $0xFFFFFC00, v36;
	v6 =	vshll.u32 v2, $0x3;
	v15 =	vld [tilespmem:s25+$0xFFFFFFE0]  }
0x81: {  	v10 =	vnsel vm5, $0x0, v10;
	v6 =	vand.u32 $0xFFFFFC00, v6;
	[tilespmem:v12+s19+$0x0] =	vst.idx.add.f32.msk vm6, v13  }
0x82: {  	v8 =	vnsel vm7, $0x0, v8;
	v26 =	vnsel vm2, $0x0, v14;
	v12 =	vshll.u32 v22, $0x3;
	v13 =	vld [tilespmem:s25+$0xFFFFFFF0]  }
0x83: {  	v7 =	vnsel vm3, $0x0, v7;
	vm4 =	vlt.u32 v20, $0x20;
	v14 =	vnsel vm0, $0x0, v19;
	[tilespmem:v16+s19+$0x0] =	vst.idx.add.f32.msk vm5, v10  }
0x84: {  	v10 =	vand.u32 $0xFFFFFC00, v12;
	v30 =	vshll.u32 v9, $0x3;
	[tilespmem:v11+s19+$0x0] =	vst.idx.add.f32.msk vm7, v8  }
0x85: {  	v11 =	vand.u32 $0x7F, v22;
	v8 =	vshll.u32 v14, $0x9;
	v12 =	vsub.s32 v15, v0;
	[tilespmem:v24+s19+$0x0] =	vst.idx.add.f32.msk vm3, v7  }
0x86: {  	v15 =	vnsel vm1, $0x0, v18;
	v7 =	vand.u32 $0xFFFFF000, v8;
	v18 =	vand.u32 $0xFFFFFC00, v32  }
0x87: {  	v20 =	vnsel vm4, $0x0, v20;
	v8 =	vshll.u32 v15, $0x9;
	v13 =	vsub.s32 v13, v0  }
0x88: {  	v22 =	vshll.u32 v20, $0x9;
	v10 =	vadd.s32 v10, v7;
	v8 =	vand.u32 $0xFFFFF000, v8  }
0x89: {  	v14 =	vshll.u32 v14, $0x7;
	vm3 =	vlt.u32 v12, $0x20;
	v7 =	vsub.s32 v37, v0  }
0x8a: {  	v19 =	vand.u32 $0x7F, v33;
	vm6 =	vlt.u32 v7, $0x20;
	v16 =	vadd.s32 v27, v8  }
0x8b: {  	v24 =	vshll.u32 v20, $0x7;
	vm5 =	vlt.u32 v13, $0x20;
	v8 =	vnsel vm6, $0x0, v7  }
0x8c: {  	v13 =	vnsel vm5, $0x0, v13;
	v20 =	vshll.u32 v8, $0x9;
	v23 =	vshll.u32 v8, $0x7;
	v7 =	vld [tilespmem:s23+$0xFFFFFFE0]  }
0x8d: {  	v14 =	vand.u32 $0x380, v14;
	v32 =	vand.u32 $0xFFFFF000, v22;
	v20 =	vand.u32 $0xFFFFF000, v20;
	v8 =	vld [tilespmem:s23+$0x20]  }
0x8e: {  	v22 =	vshll.u32 v13, $0x9;
	v23 =	vand.u32 $0x380, v23;
	v18 =	vadd.s32 v18, v20;
	v33 =	vld [tilespmem:s23+$0x30]  }
0x8f: {  	v20 =	vand.u32 $0xFFFFFC00, v31;
	v25 =	vand.u32 $0xFFFFF000, v22;
	v18 =	vor.u32 v23, v18;
	v31 =	vld [tilespmem:s23+$0x0]  }
.Ltmp3:
0x90: {  	v22 =	vnsel vm3, $0x0, v12;
	v12 =	vshll.u32 v13, $0x7;
	v23 =	vor.u32 v14, v10;
	v10 =	vld [tilespmem:s23+$0xFFFFFFF0];
	(pc) =	sbr.rel @p1 .LBB2_4-.Ltmp3, $4  }
0x91: {  	v29 =	vshll.u32 v26, $0x7;
	v13 =	vshll.u32 v26, $0x9;
	v25 =	vadd.s32 v21, v25;
	v14 =	vld [tilespmem:s23+$0xFFFFFFC0]  }
0x92: {  	v26 =	vand.u32 $0x380, v12;
	v12 =	vor.u32 v28, v18;
	v28 =	vand.u32 $0x380, v24;
	v27 =	vld [tilespmem:s25+$0x20]  }
0x93: {  	v34 =	vand.u32 $0xFFFFF000, v13;
	v21 =	vld [tilespmem:s23+$0xFFFFFFD0];
	v18 =	vnsel vm4, $0x0, v33;
	v33 =	vand.u32 $0xFFFFFC00, v30  }
0x94: {  	s26 =	sadd.s32 $0x80, s26;
	s25 =	sadd.s32 $0x80, s25;
	v30 =	vadd.s32 v17, v34;
	v13 =	vnsel vm6, $0x0, v31;
	v24 =	vld [tilespmem:s23+$0x10];
	v17 =	vadd.s32 v33, v32  }
0x95: {  	v15 =	vshll.u32 v15, $0x7;
	v31 =	vshll.u32 v22, $0x9  }
0x96: {  	v29 =	vand.u32 $0x380, v29;
	v9 =	vand.u32 $0x7F, v9;
	v17 =	vor.u32 v28, v17  }
0x97: {  	v11 =	vor.u32 v11, v23;
	v53 =	vor.u32 v26, v25;
	v3 =	vand.u32 $0x7F, v3  }
0x98: {  	v55 =	vshll.u32 v22, $0x7;
	v15 =	vand.u32 $0x380, v15;
	v29 =	vor.u32 v29, v30  }
0x99: {  	v54 =	vand.u32 $0xFFFFF000, v31;
	v9 =	vor.u32 v9, v17;
	v27 =	vsub.s32 v27, v0  }
0x9a: {  	v22 =	vand.u32 $0x380, v55;
	v4 =	vor.u32 v4, v53;
	vm7 =	vlt.u32 v27, $0x20  }
0x9b: {  	v19 =	vor.u32 v19, v29;
	v15 =	vor.u32 v15, v16;
	v56 =	vnsel vm7, $0x0, v27  }
0x9c: {  	v57 =	vadd.s32 v20, v54;
	v5 =	vor.u32 v5, v15;
	v58 =	vshll.u32 v56, $0x9  }
0x9d: {  	v15 =	vor.u32 v22, v57;
	v17 =	vshll.u32 v56, $0x7;
	v20 =	vand.u32 $0xFFFFF000, v58  }
0x9e: {  	[tilespmem:v12+s19+$0x0] =	vst.idx.add.f32.msk vm6, v13;
	v60 =	vnsel vm0, $0x0, v21;
	v17 =	vand.u32 $0x380, v17;
	v6 =	vadd.s32 v6, v20  }
0x9f: {  	v2 =	vand.u32 $0x7F, v2;
	v3 =	vor.u32 v3, v15;
	[tilespmem:v11+s19+$0x0] =	vst.idx.add.f32.msk vm0, v60;
	v6 =	vor.u32 v17, v6  }
0xa0: {  	v61 =	vnsel vm5, $0x0, v10;
	[tilespmem:v9+s19+$0x0] =	vst.idx.add.f32.msk vm4, v18;
	v2 =	vor.u32 v2, v6  }
.Ltmp4:
0xa1: {  	v59 =	vnsel vm2, $0x0, v24;
	[tilespmem:v4+s19+$0x0] =	vst.idx.add.f32.msk vm5, v61;
	(pc) =	sbr.rel @p0 .LBB2_9-.Ltmp4, $4  }
0xa2: {  	v14 =	vnsel vm1, $0x0, v14;
	[tilespmem:v19+s19+$0x0] =	vst.idx.add.f32.msk vm2, v59  }
0xa3: {  	v63 =	vnsel vm3, $0x0, v7;
	[tilespmem:v5+s19+$0x0] =	vst.idx.add.f32.msk vm1, v14  }
0xa4: {  	v62 =	vnsel vm7, $0x0, v8;
	[tilespmem:v3+s19+$0x0] =	vst.idx.add.f32.msk vm3, v63  }
0xa5: {  	[tilespmem:v2+s19+$0x0] =	vst.idx.add.f32.msk vm7, v62  }
0xa6: {  	s24 =	simm.s32 $0x20  }
0xa7: {  	s23 =	simm.s32 $0x4220;
	v2 =	vld [tilespmem:s24+$0x10]  }
0xa8: {  	v3 =	vld [tilespmem:s23+$0x10]  }
0xa9: {  	v4 =	vld [tilespmem:s24+$0xFFFFFFF0]  }
0xaa: {  	v5 =	vld [tilespmem:s24+$0x0]  }
0xab: {  	v6 =	vld [tilespmem:s24+$0xFFFFFFE0]  }
0xac: {  	v7 =	vld [tilespmem:s23+$0xFFFFFFE0]  }
0xad: {  	v9 =	vld [tilespmem:s23+$0xFFFFFFF0]  }
0xae: {  	s24 =	simm.s32 $0xC4A0;
	v10 =	vld [tilespmem:s23+$0x0]  }
0xaf: {  	v8 =	vld [tilespmem:s24+$0x10];
	v2 =	vsub.s32 v2, v0  }
0xb0: {  	vm2 =	vlt.u32 v2, $0x20;
	v2 =	vadd.s32 v3, v2;
	v3 =	vsub.s32 v4, v0;
	v4 =	vld [tilespmem:s24+$0xFFFFFFE0]  }
0xb1: {  	v5 =	vsub.s32 v5, v0;
	v11 =	vnsel vm2, $0x0, v2;
	v2 =	vsub.s32 v6, v0;
	v6 =	vld [tilespmem:s24+$0xFFFFFFF0]  }
0xb2: {  	vm3 =	vlt.u32 v5, $0x20;
	vm0 =	vlt.u32 v2, $0x20;
	v2 =	vadd.s32 v7, v2;
	v7 =	vld [tilespmem:s24+$0x0]  }
0xb3: {  	v63 =	vadd.s32 v10, v5;
	vm1 =	vlt.u32 v3, $0x20;
	v3 =	vadd.s32 v9, v3  }
0xb4: {  	v8 =	vnsel vm2, $0x0, v8;
	v2 =	vnsel vm0, $0x0, v2;
	vm0 =	vmmov vm0  }
0xb5: {  	v3 =	vnsel vm1, $0x0, v3;
	vm1 =	vmmov vm1;
	v5 =	vnsel vm0, $0x0, v4  }
0xb6: {  	s25 =	simm.s32 $0x0;
	s26 =	simm.s32 $0x60;
	v4 =	vnsel vm3, $0x0, v63;
	[tilespmem:v11+s21+$0x0] =	vst.idx.add.f32.msk vm2, v8;
	v6 =	vnsel vm1, $0x0, v6;
	vm2 =	vmmov vm3  }
.LBB2_7:
0xb7: {  	v8 =	vld [tilespmem:s26+$0x10];
	s25 =	sadd.s32 $0x4, s25;
	v9 =	vnsel vm2, $0x0, v7;
	s23 =	sadd.s32 $0x40, s23  }
0xb8: {  	v7 =	vld [tilespmem:s23+$0x10];
	p1 =	slt.u32 s25, $0x1C  }
0xb9: {  	v10 =	vld [tilespmem:s26+$0xFFFFFFF0]  }
0xba: {  	v11 =	vld [tilespmem:s26+$0x0]  }
0xbb: {  	v12 =	vld [tilespmem:s26+$0xFFFFFFE0]  }
0xbc: {  	s24 =	sadd.s32 $0x40, s24;
	v13 =	vld [tilespmem:s23+$0xFFFFFFE0];
	v8 =	vsub.s32 v8, v0  }
0xbd: {  	v14 =	vld [tilespmem:s24+$0x10];
	vm3 =	vlt.u32 v8, $0x20;
	v7 =	vadd.s32 v7, v8  }
0xbe: {  	v8 =	vld [tilespmem:s23+$0xFFFFFFF0];
	v10 =	vsub.s32 v10, v0;
	v15 =	vnsel vm3, $0x0, v7  }
0xbf: {  	vm4 =	vlt.u32 v10, $0x20;
	v16 =	vld [tilespmem:s23+$0x0];
	v11 =	vsub.s32 v11, v0  }
0xc0: {  	v17 =	vld [tilespmem:s24+$0xFFFFFFE0];
	v7 =	vsub.s32 v12, v0;
	vm5 =	vlt.u32 v11, $0x20  }
0xc1: {  	vm6 =	vlt.u32 v7, $0x20;
	v7 =	vadd.s32 v13, v7;
	v12 =	vld [tilespmem:s24+$0xFFFFFFF0]  }
.Ltmp5:
0xc2: {  	v13 =	vnsel vm6, $0x0, v7;
	v7 =	vld [tilespmem:s24+$0x0];
	v14 =	vnsel vm3, $0x0, v14;
	(pc) =	sbr.rel @p1 .LBB2_7-.Ltmp5, $4  }
0xc3: {  	v8 =	vadd.s32 v8, v10;
	[tilespmem:v15+s21+$0x0] =	vst.idx.add.f32.msk vm3, v14  }
0xc4: {  	v8 =	vnsel vm4, $0x0, v8;
	v10 =	vadd.s32 v16, v11;
	[tilespmem:v2+s21+$0x0] =	vst.idx.add.f32.msk vm0, v5;
	v2 =	vmovc v13;
	vm0 =	vmmov vm6  }
0xc5: {  	v5 =	vnsel vm0, $0x0, v17;
	v10 =	vnsel vm5, $0x0, v10;
	[tilespmem:v3+s21+$0x0] =	vst.idx.add.f32.msk vm1, v6;
	v3 =	vmovc v8;
	vm1 =	vmmov vm4  }
0xc6: {  	s26 =	sadd.s32 $0x40, s26;
	v6 =	vnsel vm1, $0x0, v12;
	[tilespmem:v4+s21+$0x0] =	vst.idx.add.f32.msk vm2, v9;
	v4 =	vmov v10;
	vm2 =	vmmov vm5  }
0xc7: {  	_ =	sdelay $0x4  }
0xc8: {  	[tilespmem:v2+s21+$0x0] =	vst.idx.add.f32.msk vm0, v5  }
0xc9: {  	v2 =	vnsel vm2, $0x0, v7;
	[tilespmem:v3+s21+$0x0] =	vst.idx.add.f32.msk vm1, v6  }
0xca: {  	[tilespmem:v4+s21+$0x0] =	vst.idx.add.f32.msk vm2, v2  }
0xcb: {  	[hbm4b:s9+s5] =	stream.linear.scatter [tilespmem:s19], [sflag:$0x2], $0x4000, $0x38;
	[tilespmem:$0x10680] =	vst v63  }
0xcc: {  	_ =	swait.ge [sflag:s20], $0x4000  }
0xcd: {  	[sflag:s20] =	ssyncset.done $0x0  }
.Ltmp6:
0xce: {  	[sflag:s20] =	ssyncadd.s32 $0xFFFFC000;
	(pc) =	sbr.rel .LBB2_10-.Ltmp6, $4  }
0xcf: {  	[hbm4b:s10+s5] =	stream.linear.scatter [tilespmem:s21], [sflag:$0x2], $0x20, $0x38;
	[tilespmem:$0x10680] =	vst v63  }
0xd0: {  	_ =	swait.ge [sflag:s20], $0x20  }
0xd1: {  	[sflag:s20] =	ssyncset.done $0x0  }
0xd2: {  	[sflag:s20] =	ssyncadd.s32 $0xFFFFFFE0  }
.LBB2_11:
0xd3: {  	_ =	sfence.sel $0x180000  }
0xd4: {  	[bflag:$0x0] =	sbarrier.arrive $0xFFFF  }
0xd5: {  	p0 =	sne.s32 s4, $0x0;
	_ =	strace $0x90000047  }
0xd6: {  	s0 =	sadd.s32 @!p0 $0x100000, s0;
	[bflag:$0x2] =	sbarrier.arrive $0xFFFF  }
0xd7: {  	[sflag:s0] =	ssyncadd.tile.s32 @!p0 $0x1;
	_ =	shalt  }
.Lfunc_end2:
_tile_overlayer_lowered:
.L_overlay_start_2:
0xd8: {  	(tag) =	ssettag $0x2  }
0xd9: {  	s0 =	rddreg [dreg:$0x0];
	s2 =	stileid.u32  }
0xda: {  	s1 =	rddreg [dreg:$0x1];
	p0 =	sne.s32 s2, $0x0  }
0xdb: {  	s3 =	rddreg [dreg:$0x2];
	[bflag:$0x3] =	sbarrier.arrive $0xFFFF;
	s2 =	simm.s32 @!p0 $0x1C02  }
0xdc: {  	[timem:s3], [sflag:s2] =	dma.local @!p0 [hbm:s0], s1  }
0xdd: {  	s0 =	simm.s32 @!p0 $0x2  }
0xde: {  	_ =	swait.ge @!p0 [sflag:s0], s1  }
0xdf: {  	s1 =	ssub.s32 @!p0 $0x0, s1;
	[sflag:s0] =	ssyncset.done @!p0 $0x0  }
0xe0: {  	[sflag:s0] =	ssyncadd.s32 @!p0 s1  }
0xe1: {  	[bflag:$0x3] =	sbarrier.arrive $0xFFFF  }
0xe2: {  	_ =	shalt  }

</sc_bundles>
